<compile_context>
chip_gen: v7x
topology: tpu7x:2x2x1
jax: 0.10.2.dev20260603
libtpu: 0.0.44.dev20260713+nightly
codegen_flags: <defaults>
</compile_context>

<pallas_src>
import functools

import jax
import jax.numpy as jnp
from jax import lax
from jax.experimental import pallas as pl
from jax.experimental.pallas import tpu as pltpu
from jax.experimental.pallas import tpu_sc as plsc

VOCAB = 1000000
EMB = 64
HID = 128
B = 1024
T = 200

NW = 32
N_PER_W = (B * T) // NW
CHUNK = 256
N_CHUNKS = N_PER_W // CHUNK
NBUF = 3

CW = 16384
SQ = CW // 4
NP2 = ((VOCAB + CW - 1) // CW) * SQ


def _rne_bf16_bits(a):
    u = jax.lax.bitcast_convert_type(a, jnp.uint32)
    return (u + jnp.uint32(0x7FFF) + ((u >> 16) & jnp.uint32(1))) >> 16


def _repack_body(in_ref, out_ref):
    x = in_ref[...]
    s0 = _rne_bf16_bits(x[:, :SQ].T)
    s1 = _rne_bf16_bits(x[:, SQ:2 * SQ].T)
    s2 = _rne_bf16_bits(x[:, 2 * SQ:3 * SQ].T)
    s3 = _rne_bf16_bits(x[:, 3 * SQ:].T)
    p01 = jax.lax.bitcast_convert_type((s1 << 16) | s0, jnp.float32)
    p23 = jax.lax.bitcast_convert_type((s3 << 16) | s2, jnp.float32)
    out_ref[...] = jnp.concatenate([p01, p23], axis=1)


def _repack_table(tableT):
    grid = pl.cdiv(VOCAB, CW)
    return pl.pallas_call(
        _repack_body,
        grid=(grid,),
        in_specs=[pl.BlockSpec((EMB, CW), lambda q: (0, q))],
        out_specs=pl.BlockSpec((SQ, 2 * EMB), lambda q: (q, 0)),
        out_shape=jax.ShapeDtypeStruct((NP2, 2 * EMB), jnp.float32),
    )(tableT)


def _sc_gather(table2, idx2):
    mesh = plsc.VectorSubcoreMesh(core_axis_name="c", subcore_axis_name="s")

    @functools.partial(
        pl.kernel,
        out_type=jax.ShapeDtypeStruct((B * T, 2 * EMB), jnp.float32),
        mesh=mesh,
        scratch_types=[
            pltpu.VMEM((N_PER_W,), jnp.int32),
            pltpu.VMEM((CHUNK, 2 * EMB), jnp.float32),
            pltpu.VMEM((CHUNK, 2 * EMB), jnp.float32),
            pltpu.VMEM((CHUNK, 2 * EMB), jnp.float32),
            pltpu.SemaphoreType.DMA,
            pltpu.SemaphoreType.DMA,
            pltpu.SemaphoreType.DMA,
            pltpu.SemaphoreType.DMA,
            pltpu.SemaphoreType.DMA,
            pltpu.SemaphoreType.DMA,
        ],
    )
    def gather_kernel(table_hbm, idx_hbm, out_hbm, idx_v,
                      b0, b1, b2, gs0, gs1, gs2, os0, os1, os2):
        bufs = (b0, b1, b2)
        gsems = (gs0, gs1, gs2)
        osems = (os0, os1, os2)
        wid = lax.axis_index("s") * 2 + lax.axis_index("c")
        base = wid * N_PER_W
        pltpu.sync_copy(idx_hbm.at[pl.ds(base, N_PER_W)], idx_v)

        for b in range(NBUF):
            pltpu.async_copy(
                table_hbm.at[idx_v.at[pl.ds(b * CHUNK, CHUNK)]],
                bufs[b], gsems[b])

        def outer(k, carry):
            for b in range(NBUF):
                g = k * NBUF + b

                @pl.when(g < N_CHUNKS)
                def _chunk():
                    pltpu.make_async_copy(
                        table_hbm.at[pl.ds(0, CHUNK)], bufs[b], gsems[b]
                    ).wait()
                    off = pl.multiple_of(g * CHUNK, CHUNK)
                    pltpu.async_copy(
                        bufs[b], out_hbm.at[pl.ds(base + off, CHUNK)],
                        osems[b])

                    @pl.when(g + NBUF < N_CHUNKS)
                    def _refill():
                        pltpu.make_async_copy(
                            bufs[b], out_hbm.at[pl.ds(0, CHUNK)], osems[b]
                        ).wait()
                        off2 = pl.multiple_of((g + NBUF) * CHUNK, CHUNK)
                        pltpu.async_copy(
                            table_hbm.at[idx_v.at[pl.ds(off2, CHUNK)]],
                            bufs[b], gsems[b])
            return carry

        lax.fori_loop(0, (N_CHUNKS + NBUF - 1) // NBUF, outer, 0)

        for b in range(NBUF):
            pltpu.make_async_copy(
                bufs[b], out_hbm.at[pl.ds(0, CHUNK)], osems[b]
            ).wait()

    return gather_kernel(table2, idx2)


TSTEP = 8


def _gru_body(x_ref, par_ref, wx_ref, wh_ref, b_ref, out_ref, h_ref):
    t = pl.program_id(0)

    @pl.when(t == 0)
    def _init():
        h_ref[...] = jnp.zeros_like(h_ref)

    h = h_ref[...]
    wh = wh_ref[...].astype(jnp.bfloat16)
    wx = wx_ref[...].astype(jnp.bfloat16)
    bias = b_ref[...]
    for j in range(TSTEP):
        xw = x_ref[j]
        sel = par_ref[j].reshape(B, 1)
        u = jax.lax.bitcast_convert_type(xw, jnp.uint32)
        u64 = jnp.where(sel >= 2, u[:, EMB:], u[:, :EMB])
        xbits = jnp.where((sel & 1) > 0,
                          u64 & jnp.uint32(0xFFFF0000), u64 << 16)
        x = jax.lax.bitcast_convert_type(xbits, jnp.float32)
        gx = jnp.dot(x.astype(jnp.bfloat16), wx,
                     preferred_element_type=jnp.float32) + bias
        gh = jnp.dot(h.astype(jnp.bfloat16), wh,
                     preferred_element_type=jnp.float32)
        z = jax.nn.sigmoid(gx[:, :HID] + gh[:, :HID])
        r = jax.nn.sigmoid(gx[:, HID:2 * HID] + gh[:, HID:2 * HID])
        cand = jnp.tanh(gx[:, 2 * HID:] + r * gh[:, 2 * HID:])
        h = z * h + (1.0 - z) * cand
        out_ref[:, j, :] = h
    h_ref[...] = h


def _gru(x_tm, par_tm, Wx, Wh, b2):
    return pl.pallas_call(
        _gru_body,
        grid=(T // TSTEP,),
        in_specs=[
            pl.BlockSpec((TSTEP, B, 2 * EMB), lambda t: (t, 0, 0)),
            pl.BlockSpec((TSTEP, B), lambda t: (t, 0)),
            pl.BlockSpec((EMB, 3 * HID), lambda t: (0, 0)),
            pl.BlockSpec((HID, 3 * HID), lambda t: (0, 0)),
            pl.BlockSpec((1, 3 * HID), lambda t: (0, 0)),
        ],
        out_specs=pl.BlockSpec((B, TSTEP, HID), lambda t: (0, t, 0)),
        out_shape=jax.ShapeDtypeStruct((B, T, HID), jnp.float32),
        scratch_shapes=[pltpu.VMEM((B, HID), jnp.float32)],
        compiler_params=pltpu.CompilerParams(
            dimension_semantics=("arbitrary",)
        ),
    )(x_tm, par_tm, Wx, Wh, b2)


def kernel(x_in, seq_lengths, emb_table, Wx, Wh, b):
    del seq_lengths
    idx = x_in.astype(jnp.int32).T.reshape(-1)
    table2 = _repack_table(emb_table.T)
    idx2 = ((idx >> 14) << 12) + (idx & (SQ - 1))
    half = (idx >> 12) & 3
    xw = _sc_gather(table2, idx2)
    x_tm = xw.reshape(T, B, 2 * EMB)
    par_tm = half.reshape(T, B)
    return _gru(x_tm, par_tm, Wx, Wh, b.reshape(1, 3 * HID))

# --- scband reference (transcript-rebuilt; emitter-appended) ---
"""Pipeline reference for scband-model-to-inspect-1520418423199 (READ-ONLY COPY).

The authoritative reference and input builder live on the scoring server;
editing this copy changes nothing except your own understanding.
"""

import jax, jax.numpy as jnp
import numpy as np

VOCAB = 1000000
EMB = 64
HID = 128
B = 1024
T = 200

def setup_inputs(seed: int = 0) -> dict:
    key = jax.random.key(seed)
    k1, k2, k3, k4, k5, k6 = jax.random.split(key, 6)
    x_in = jax.random.randint(k1, (B, T), 0, VOCAB, dtype=jnp.int64)
    seq_lengths = jax.random.randint(k2, (B,), 0, T, dtype=jnp.int32)
    emb_table = jax.random.normal(k3, (VOCAB, EMB), dtype=jnp.float32) * 0.02
    Wx = jax.random.normal(k4, (EMB, 3 * HID), dtype=jnp.float32) * np.float32(1.0 / np.sqrt(EMB))
    Wh = jax.random.normal(k5, (HID, 3 * HID), dtype=jnp.float32) * np.float32(1.0 / np.sqrt(HID))
    b = jnp.zeros((3 * HID,), dtype=jnp.float32)
    return {"x_in": x_in, "seq_lengths": seq_lengths, "emb_table": emb_table, "Wx": Wx, "Wh": Wh, "b": b}

def reference(x_in, seq_lengths, emb_table, Wx, Wh, b):
    # Embedding lookup (mask_zero=True in original; mask unused since rnn consumes x_emb)
    x_emb = jnp.take(emb_table, x_in, axis=0)  # [B, T, EMB]

    def step(h, x_t):
        gates_x = x_t @ Wx + b            # [B, 3H]
        gates_h = h @ Wh                   # [B, 3H]
        xz, xr, xh = jnp.split(gates_x, 3, axis=-1)
        hz, hr, hh_lin = jnp.split(gates_h, 3, axis=-1)
        z = jax.nn.sigmoid(xz + hz)
        r = jax.nn.sigmoid(xr + hr)
        hh = jnp.tanh(xh + r * hh_lin)
        h_new = z * h + (1.0 - z) * hh
        return h_new, h_new

    h0 = jnp.zeros((x_emb.shape[0], HID), dtype=x_emb.dtype)
    xs = jnp.swapaxes(x_emb, 0, 1)  # [T, B, EMB]
    h_last, ys = jax.lax.scan(step, h0, xs)
    z_seq = jnp.swapaxes(ys, 0, 1)  # [B, T, HID] (return_sequences=True output)
    return z_seq

if __name__ == "__main__":
    import jax
    _d = setup_inputs()
    print(jax.jit(kernel)(*tuple(_d.values())))

</pallas_src>

<mosaic_0001>
#map = affine_map<(d0, d1) -> (0, 0)>
#map1 = affine_map<(d0, d1) -> (0)>
module attributes {stable_mosaic.version = 14 : i64} {
  func.func @gather_kernel(%arg0: i32, %arg1: i32, %arg2: memref<253952x128xf32, #tpu.memory_space<hbm>>, %arg3: memref<204800xi32, #tpu.memory_space<hbm>>, %arg4: memref<204800x128xf32, #tpu.memory_space<hbm>>, %arg5: memref<6400xi32, #tpu.memory_space<vmem>>, %arg6: memref<256x128xf32, #tpu.memory_space<vmem>>, %arg7: memref<256x128xf32, #tpu.memory_space<vmem>>, %arg8: memref<256x128xf32, #tpu.memory_space<vmem>>, %arg9: memref<!tpu.dma_semaphore, #tpu.memory_space<semaphore_mem>>, %arg10: memref<!tpu.dma_semaphore, #tpu.memory_space<semaphore_mem>>, %arg11: memref<!tpu.dma_semaphore, #tpu.memory_space<semaphore_mem>>, %arg12: memref<!tpu.dma_semaphore, #tpu.memory_space<semaphore_mem>>, %arg13: memref<!tpu.dma_semaphore, #tpu.memory_space<semaphore_mem>>, %arg14: memref<!tpu.dma_semaphore, #tpu.memory_space<semaphore_mem>>) attributes {dimension_semantics = [#tpu.dimension_semantics<core_parallel>, #tpu.dimension_semantics<subcore_parallel>], iteration_bounds = array<i64: 2, 16>, scalar_prefetch = 0 : i64, scratch_operands = 10 : i64, tpu.core_type = #tpu.core_type<sc_vector_subcore>, window_params = [{transform_indices = #map}, {transform_indices = #map1}, {transform_indices = #map}]} {
    %mul3A = arith.constant 2 : i32
    %mul3A_0 = arith.muli %arg1, %mul3A : i32
    %add3A = arith.addi %mul3A_0, %arg0 : i32
    %mul3A_1 = arith.constant 6400 : i32
    %mul3A_2 = arith.muli %add3A, %mul3A_1 : i32
    "tpu.region"() ({
      %run_scoped3A = tpu.sem_alloc : memref<!tpu.dma_semaphore, #tpu.memory_space<semaphore_mem>>
      %dma_start3A_39 = tpu.memref_slice %arg3[%mul3A_2] : memref<204800xi32, #tpu.memory_space<hbm>> -> memref<6400xi32, #tpu.memory_space<hbm>>
      %dma_start3A_40 = tpu.memref_slice %arg3[%mul3A_2] : memref<204800xi32, #tpu.memory_space<hbm>> -> memref<6400xi32, #tpu.memory_space<hbm>>
      tpu.enqueue_dma source(%dma_start3A_40 : memref<6400xi32, #tpu.memory_space<hbm>>) target(%arg5 : memref<6400xi32, #tpu.memory_space<vmem>>) target_semaphore(%run_scoped3A : memref<!tpu.dma_semaphore, #tpu.memory_space<semaphore_mem>>)
      %dma_wait3A_41 = tpu.memref_slice %arg3[%mul3A_2] : memref<204800xi32, #tpu.memory_space<hbm>> -> memref<6400xi32, #tpu.memory_space<hbm>>
      %dma_wait3A_42 = tpu.memref_slice %arg3[%mul3A_2] : memref<204800xi32, #tpu.memory_space<hbm>> -> memref<6400xi32, #tpu.memory_space<hbm>>
      tpu.wait_dma2 semaphore(%run_scoped3A : memref<!tpu.dma_semaphore, #tpu.memory_space<semaphore_mem>>) src(%dma_wait3A_42 : memref<6400xi32, #tpu.memory_space<hbm>>) dst(%arg5 : memref<6400xi32, #tpu.memory_space<vmem>>)
      tpu.yield
    }) : () -> ()
    %dma_start3A = arith.constant 0 : i32
    %dma_start3A_3 = tpu.memref_slice %arg5[%dma_start3A] : memref<6400xi32, #tpu.memory_space<vmem>> -> memref<256xi32, #tpu.memory_space<vmem>>
    %dma_start3A_4 = arith.constant 0 : i32
    %dma_start3A_5 = arith.constant 0 : i32
    %dma_start3A_6 = tpu.memref_slice %arg2[%dma_start3A_4, %dma_start3A_5] : memref<253952x128xf32, #tpu.memory_space<hbm>> -> memref<253952x128xf32, #tpu.memory_space<hbm>>
    tpu.enqueue_indirect_dma source(%dma_start3A_6 : memref<253952x128xf32, #tpu.memory_space<hbm>>) target(%arg6 : memref<256x128xf32, #tpu.memory_space<vmem>>) offsets(%dma_start3A_3 : memref<256xi32, #tpu.memory_space<vmem>>) semaphore(%arg9 : memref<!tpu.dma_semaphore, #tpu.memory_space<semaphore_mem>>)
    %dma_start3A_7 = arith.constant 256 : i32
    %dma_start3A_8 = tpu.memref_slice %arg5[%dma_start3A_7] : memref<6400xi32, #tpu.memory_space<vmem>> -> memref<256xi32, #tpu.memory_space<vmem>>
    %dma_start3A_9 = arith.constant 0 : i32
    %dma_start3A_10 = arith.constant 0 : i32
    %dma_start3A_11 = tpu.memref_slice %arg2[%dma_start3A_9, %dma_start3A_10] : memref<253952x128xf32, #tpu.memory_space<hbm>> -> memref<253952x128xf32, #tpu.memory_space<hbm>>
    tpu.enqueue_indirect_dma source(%dma_start3A_11 : memref<253952x128xf32, #tpu.memory_space<hbm>>) target(%arg7 : memref<256x128xf32, #tpu.memory_space<vmem>>) offsets(%dma_start3A_8 : memref<256xi32, #tpu.memory_space<vmem>>) semaphore(%arg10 : memref<!tpu.dma_semaphore, #tpu.memory_space<semaphore_mem>>)
    %dma_start3A_12 = arith.constant 512 : i32
    %dma_start3A_13 = tpu.memref_slice %arg5[%dma_start3A_12] : memref<6400xi32, #tpu.memory_space<vmem>> -> memref<256xi32, #tpu.memory_space<vmem>>
    %dma_start3A_14 = arith.constant 0 : i32
    %dma_start3A_15 = arith.constant 0 : i32
    %dma_start3A_16 = tpu.memref_slice %arg2[%dma_start3A_14, %dma_start3A_15] : memref<253952x128xf32, #tpu.memory_space<hbm>> -> memref<253952x128xf32, #tpu.memory_space<hbm>>
    tpu.enqueue_indirect_dma source(%dma_start3A_16 : memref<253952x128xf32, #tpu.memory_space<hbm>>) target(%arg8 : memref<256x128xf32, #tpu.memory_space<vmem>>) offsets(%dma_start3A_13 : memref<256xi32, #tpu.memory_space<vmem>>) semaphore(%arg11 : memref<!tpu.dma_semaphore, #tpu.memory_space<semaphore_mem>>)
    %scan3A = arith.constant 0 : i32
    %scan3A_17 = arith.constant 0 : i32
    %scan3A_18 = arith.constant 9 : i32
    %scan3A_19 = arith.addi %scan3A_17, %scan3A_18 : i32
    %scan3A_20 = arith.constant 1 : i32
    scf.for %scan3A_39 = %scan3A_17 to %scan3A_19 step %scan3A_20  : i32 {
      %mul3A_40 = arith.constant 3 : i32
      %mul3A_41 = arith.muli %scan3A_39, %mul3A_40 : i32
      %add3A_42 = arith.constant 0 : i32
      %add3A_43 = arith.addi %mul3A_41, %add3A_42 : i32
      %lt3A = arith.constant 25 : i32
      %lt3A_44 = arith.cmpi slt, %add3A_43, %lt3A : i32
      %convert_element_type3A = arith.extui %lt3A_44 : i1 to i32
      %cond3A = arith.constant 0 : i32
      %cond3A_45 = arith.cmpi ne, %convert_element_type3A, %cond3A : i32
      scf.if %cond3A_45 {
        %dma_wait3A_64 = arith.constant 0 : i32
        %dma_wait3A_65 = arith.constant 0 : i32
        %dma_wait3A_66 = tpu.memref_slice %arg2[%dma_wait3A_64, %dma_wait3A_65] : memref<253952x128xf32, #tpu.memory_space<hbm>> -> memref<256x128xf32, #tpu.memory_space<hbm>>
        %dma_wait3A_67 = arith.constant 0 : i32
        %dma_wait3A_68 = arith.constant 0 : i32
        %dma_wait3A_69 = tpu.memref_slice %arg2[%dma_wait3A_67, %dma_wait3A_68] : memref<253952x128xf32, #tpu.memory_space<hbm>> -> memref<256x128xf32, #tpu.memory_space<hbm>>
        tpu.wait_dma2 semaphore(%arg9 : memref<!tpu.dma_semaphore, #tpu.memory_space<semaphore_mem>>) src(%dma_wait3A_69 : memref<256x128xf32, #tpu.memory_space<hbm>>) dst(%arg6 : memref<256x128xf32, #tpu.memory_space<vmem>>)
        %mul3A_70 = arith.constant 256 : i32
        %mul3A_71 = arith.muli %add3A_43, %mul3A_70 : i32
        %multiple_of3A = tpu.assume_multiple %mul3A_71, 256 : i32
        %add3A_72 = arith.addi %mul3A_2, %multiple_of3A : i32
        %dma_start3A_73 = arith.constant 0 : i32
        %dma_start3A_74 = tpu.memref_slice %arg4[%add3A_72, %dma_start3A_73] : memref<204800x128xf32, #tpu.memory_space<hbm>> -> memref<256x128xf32, #tpu.memory_space<hbm>>
        %dma_start3A_75 = arith.constant 0 : i32
        %dma_start3A_76 = tpu.memref_slice %arg4[%add3A_72, %dma_start3A_75] : memref<204800x128xf32, #tpu.memory_space<hbm>> -> memref<256x128xf32, #tpu.memory_space<hbm>>
        tpu.enqueue_dma source(%arg6 : memref<256x128xf32, #tpu.memory_space<vmem>>) target(%dma_start3A_76 : memref<256x128xf32, #tpu.memory_space<hbm>>) target_semaphore(%arg12 : memref<!tpu.dma_semaphore, #tpu.memory_space<semaphore_mem>>)
        %add3A_77 = arith.constant 3 : i32
        %add3A_78 = arith.addi %add3A_43, %add3A_77 : i32
        %lt3A_79 = arith.constant 25 : i32
        %lt3A_80 = arith.cmpi slt, %add3A_78, %lt3A_79 : i32
        %convert_element_type3A_81 = arith.extui %lt3A_80 : i1 to i32
        %cond3A_82 = arith.constant 0 : i32
        %cond3A_83 = arith.cmpi ne, %convert_element_type3A_81, %cond3A_82 : i32
        scf.if %cond3A_83 {
          %dma_wait3A_84 = arith.constant 0 : i32
          %dma_wait3A_85 = arith.constant 0 : i32
          %dma_wait3A_86 = tpu.memref_slice %arg4[%dma_wait3A_84, %dma_wait3A_85] : memref<204800x128xf32, #tpu.memory_space<hbm>> -> memref<256x128xf32, #tpu.memory_space<hbm>>
          %dma_wait3A_87 = arith.constant 0 : i32
          %dma_wait3A_88 = arith.constant 0 : i32
          %dma_wait3A_89 = tpu.memref_slice %arg4[%dma_wait3A_87, %dma_wait3A_88] : memref<204800x128xf32, #tpu.memory_space<hbm>> -> memref<256x128xf32, #tpu.memory_space<hbm>>
          tpu.wait_dma2 semaphore(%arg12 : memref<!tpu.dma_semaphore, #tpu.memory_space<semaphore_mem>>) src(%arg6 : memref<256x128xf32, #tpu.memory_space<vmem>>) dst(%dma_wait3A_89 : memref<256x128xf32, #tpu.memory_space<hbm>>)
          %add3A_90 = arith.constant 3 : i32
          %add3A_91 = arith.addi %add3A_43, %add3A_90 : i32
          %mul3A_92 = arith.constant 256 : i32
          %mul3A_93 = arith.muli %add3A_91, %mul3A_92 : i32
          %multiple_of3A_94 = tpu.assume_multiple %mul3A_93, 256 : i32
          %dma_start3A_95 = tpu.memref_slice %arg5[%multiple_of3A_94] : memref<6400xi32, #tpu.memory_space<vmem>> -> memref<256xi32, #tpu.memory_space<vmem>>
          %dma_start3A_96 = arith.constant 0 : i32
          %dma_start3A_97 = arith.constant 0 : i32
          %dma_start3A_98 = tpu.memref_slice %arg2[%dma_start3A_96, %dma_start3A_97] : memref<253952x128xf32, #tpu.memory_space<hbm>> -> memref<253952x128xf32, #tpu.memory_space<hbm>>
          tpu.enqueue_indirect_dma source(%dma_start3A_98 : memref<253952x128xf32, #tpu.memory_space<hbm>>) target(%arg6 : memref<256x128xf32, #tpu.memory_space<vmem>>) offsets(%dma_start3A_95 : memref<256xi32, #tpu.memory_space<vmem>>) semaphore(%arg9 : memref<!tpu.dma_semaphore, #tpu.memory_space<semaphore_mem>>)
        } else {
        }
      } else {
      }
      %mul3A_46 = arith.constant 3 : i32
      %mul3A_47 = arith.muli %scan3A_39, %mul3A_46 : i32
      %add3A_48 = arith.constant 1 : i32
      %add3A_49 = arith.addi %mul3A_47, %add3A_48 : i32
      %lt3A_50 = arith.constant 25 : i32
      %lt3A_51 = arith.cmpi slt, %add3A_49, %lt3A_50 : i32
      %convert_element_type3A_52 = arith.extui %lt3A_51 : i1 to i32
      %cond3A_53 = arith.constant 0 : i32
      %cond3A_54 = arith.cmpi ne, %convert_element_type3A_52, %cond3A_53 : i32
      scf.if %cond3A_54 {
        %dma_wait3A_64 = arith.constant 0 : i32
        %dma_wait3A_65 = arith.constant 0 : i32
        %dma_wait3A_66 = tpu.memref_slice %arg2[%dma_wait3A_64, %dma_wait3A_65] : memref<253952x128xf32, #tpu.memory_space<hbm>> -> memref<256x128xf32, #tpu.memory_space<hbm>>
        %dma_wait3A_67 = arith.constant 0 : i32
        %dma_wait3A_68 = arith.constant 0 : i32
        %dma_wait3A_69 = tpu.memref_slice %arg2[%dma_wait3A_67, %dma_wait3A_68] : memref<253952x128xf32, #tpu.memory_space<hbm>> -> memref<256x128xf32, #tpu.memory_space<hbm>>
        tpu.wait_dma2 semaphore(%arg10 : memref<!tpu.dma_semaphore, #tpu.memory_space<semaphore_mem>>) src(%dma_wait3A_69 : memref<256x128xf32, #tpu.memory_space<hbm>>) dst(%arg7 : memref<256x128xf32, #tpu.memory_space<vmem>>)
        %mul3A_70 = arith.constant 256 : i32
        %mul3A_71 = arith.muli %add3A_49, %mul3A_70 : i32
        %multiple_of3A = tpu.assume_multiple %mul3A_71, 256 : i32
        %add3A_72 = arith.addi %mul3A_2, %multiple_of3A : i32
        %dma_start3A_73 = arith.constant 0 : i32
        %dma_start3A_74 = tpu.memref_slice %arg4[%add3A_72, %dma_start3A_73] : memref<204800x128xf32, #tpu.memory_space<hbm>> -> memref<256x128xf32, #tpu.memory_space<hbm>>
        %dma_start3A_75 = arith.constant 0 : i32
        %dma_start3A_76 = tpu.memref_slice %arg4[%add3A_72, %dma_start3A_75] : memref<204800x128xf32, #tpu.memory_space<hbm>> -> memref<256x128xf32, #tpu.memory_space<hbm>>
        tpu.enqueue_dma source(%arg7 : memref<256x128xf32, #tpu.memory_space<vmem>>) target(%dma_start3A_76 : memref<256x128xf32, #tpu.memory_space<hbm>>) target_semaphore(%arg13 : memref<!tpu.dma_semaphore, #tpu.memory_space<semaphore_mem>>)
        %add3A_77 = arith.constant 3 : i32
        %add3A_78 = arith.addi %add3A_49, %add3A_77 : i32
        %lt3A_79 = arith.constant 25 : i32
        %lt3A_80 = arith.cmpi slt, %add3A_78, %lt3A_79 : i32
        %convert_element_type3A_81 = arith.extui %lt3A_80 : i1 to i32
        %cond3A_82 = arith.constant 0 : i32
        %cond3A_83 = arith.cmpi ne, %convert_element_type3A_81, %cond3A_82 : i32
        scf.if %cond3A_83 {
          %dma_wait3A_84 = arith.constant 0 : i32
          %dma_wait3A_85 = arith.constant 0 : i32
          %dma_wait3A_86 = tpu.memref_slice %arg4[%dma_wait3A_84, %dma_wait3A_85] : memref<204800x128xf32, #tpu.memory_space<hbm>> -> memref<256x128xf32, #tpu.memory_space<hbm>>
          %dma_wait3A_87 = arith.constant 0 : i32
          %dma_wait3A_88 = arith.constant 0 : i32
          %dma_wait3A_89 = tpu.memref_slice %arg4[%dma_wait3A_87, %dma_wait3A_88] : memref<204800x128xf32, #tpu.memory_space<hbm>> -> memref<256x128xf32, #tpu.memory_space<hbm>>
          tpu.wait_dma2 semaphore(%arg13 : memref<!tpu.dma_semaphore, #tpu.memory_space<semaphore_mem>>) src(%arg7 : memref<256x128xf32, #tpu.memory_space<vmem>>) dst(%dma_wait3A_89 : memref<256x128xf32, #tpu.memory_space<hbm>>)
          %add3A_90 = arith.constant 3 : i32
          %add3A_91 = arith.addi %add3A_49, %add3A_90 : i32
          %mul3A_92 = arith.constant 256 : i32
          %mul3A_93 = arith.muli %add3A_91, %mul3A_92 : i32
          %multiple_of3A_94 = tpu.assume_multiple %mul3A_93, 256 : i32
          %dma_start3A_95 = tpu.memref_slice %arg5[%multiple_of3A_94] : memref<6400xi32, #tpu.memory_space<vmem>> -> memref<256xi32, #tpu.memory_space<vmem>>
          %dma_start3A_96 = arith.constant 0 : i32
          %dma_start3A_97 = arith.constant 0 : i32
          %dma_start3A_98 = tpu.memref_slice %arg2[%dma_start3A_96, %dma_start3A_97] : memref<253952x128xf32, #tpu.memory_space<hbm>> -> memref<253952x128xf32, #tpu.memory_space<hbm>>
          tpu.enqueue_indirect_dma source(%dma_start3A_98 : memref<253952x128xf32, #tpu.memory_space<hbm>>) target(%arg7 : memref<256x128xf32, #tpu.memory_space<vmem>>) offsets(%dma_start3A_95 : memref<256xi32, #tpu.memory_space<vmem>>) semaphore(%arg10 : memref<!tpu.dma_semaphore, #tpu.memory_space<semaphore_mem>>)
        } else {
        }
      } else {
      }
      %mul3A_55 = arith.constant 3 : i32
      %mul3A_56 = arith.muli %scan3A_39, %mul3A_55 : i32
      %add3A_57 = arith.constant 2 : i32
      %add3A_58 = arith.addi %mul3A_56, %add3A_57 : i32
      %lt3A_59 = arith.constant 25 : i32
      %lt3A_60 = arith.cmpi slt, %add3A_58, %lt3A_59 : i32
      %convert_element_type3A_61 = arith.extui %lt3A_60 : i1 to i32
      %cond3A_62 = arith.constant 0 : i32
      %cond3A_63 = arith.cmpi ne, %convert_element_type3A_61, %cond3A_62 : i32
      scf.if %cond3A_63 {
        %dma_wait3A_64 = arith.constant 0 : i32
        %dma_wait3A_65 = arith.constant 0 : i32
        %dma_wait3A_66 = tpu.memref_slice %arg2[%dma_wait3A_64, %dma_wait3A_65] : memref<253952x128xf32, #tpu.memory_space<hbm>> -> memref<256x128xf32, #tpu.memory_space<hbm>>
        %dma_wait3A_67 = arith.constant 0 : i32
        %dma_wait3A_68 = arith.constant 0 : i32
        %dma_wait3A_69 = tpu.memref_slice %arg2[%dma_wait3A_67, %dma_wait3A_68] : memref<253952x128xf32, #tpu.memory_space<hbm>> -> memref<256x128xf32, #tpu.memory_space<hbm>>
        tpu.wait_dma2 semaphore(%arg11 : memref<!tpu.dma_semaphore, #tpu.memory_space<semaphore_mem>>) src(%dma_wait3A_69 : memref<256x128xf32, #tpu.memory_space<hbm>>) dst(%arg8 : memref<256x128xf32, #tpu.memory_space<vmem>>)
        %mul3A_70 = arith.constant 256 : i32
        %mul3A_71 = arith.muli %add3A_58, %mul3A_70 : i32
        %multiple_of3A = tpu.assume_multiple %mul3A_71, 256 : i32
        %add3A_72 = arith.addi %mul3A_2, %multiple_of3A : i32
        %dma_start3A_73 = arith.constant 0 : i32
        %dma_start3A_74 = tpu.memref_slice %arg4[%add3A_72, %dma_start3A_73] : memref<204800x128xf32, #tpu.memory_space<hbm>> -> memref<256x128xf32, #tpu.memory_space<hbm>>
        %dma_start3A_75 = arith.constant 0 : i32
        %dma_start3A_76 = tpu.memref_slice %arg4[%add3A_72, %dma_start3A_75] : memref<204800x128xf32, #tpu.memory_space<hbm>> -> memref<256x128xf32, #tpu.memory_space<hbm>>
        tpu.enqueue_dma source(%arg8 : memref<256x128xf32, #tpu.memory_space<vmem>>) target(%dma_start3A_76 : memref<256x128xf32, #tpu.memory_space<hbm>>) target_semaphore(%arg14 : memref<!tpu.dma_semaphore, #tpu.memory_space<semaphore_mem>>)
        %add3A_77 = arith.constant 3 : i32
        %add3A_78 = arith.addi %add3A_58, %add3A_77 : i32
        %lt3A_79 = arith.constant 25 : i32
        %lt3A_80 = arith.cmpi slt, %add3A_78, %lt3A_79 : i32
        %convert_element_type3A_81 = arith.extui %lt3A_80 : i1 to i32
        %cond3A_82 = arith.constant 0 : i32
        %cond3A_83 = arith.cmpi ne, %convert_element_type3A_81, %cond3A_82 : i32
        scf.if %cond3A_83 {
          %dma_wait3A_84 = arith.constant 0 : i32
          %dma_wait3A_85 = arith.constant 0 : i32
          %dma_wait3A_86 = tpu.memref_slice %arg4[%dma_wait3A_84, %dma_wait3A_85] : memref<204800x128xf32, #tpu.memory_space<hbm>> -> memref<256x128xf32, #tpu.memory_space<hbm>>
          %dma_wait3A_87 = arith.constant 0 : i32
          %dma_wait3A_88 = arith.constant 0 : i32
          %dma_wait3A_89 = tpu.memref_slice %arg4[%dma_wait3A_87, %dma_wait3A_88] : memref<204800x128xf32, #tpu.memory_space<hbm>> -> memref<256x128xf32, #tpu.memory_space<hbm>>
          tpu.wait_dma2 semaphore(%arg14 : memref<!tpu.dma_semaphore, #tpu.memory_space<semaphore_mem>>) src(%arg8 : memref<256x128xf32, #tpu.memory_space<vmem>>) dst(%dma_wait3A_89 : memref<256x128xf32, #tpu.memory_space<hbm>>)
          %add3A_90 = arith.constant 3 : i32
          %add3A_91 = arith.addi %add3A_58, %add3A_90 : i32
          %mul3A_92 = arith.constant 256 : i32
          %mul3A_93 = arith.muli %add3A_91, %mul3A_92 : i32
          %multiple_of3A_94 = tpu.assume_multiple %mul3A_93, 256 : i32
          %dma_start3A_95 = tpu.memref_slice %arg5[%multiple_of3A_94] : memref<6400xi32, #tpu.memory_space<vmem>> -> memref<256xi32, #tpu.memory_space<vmem>>
          %dma_start3A_96 = arith.constant 0 : i32
          %dma_start3A_97 = arith.constant 0 : i32
          %dma_start3A_98 = tpu.memref_slice %arg2[%dma_start3A_96, %dma_start3A_97] : memref<253952x128xf32, #tpu.memory_space<hbm>> -> memref<253952x128xf32, #tpu.memory_space<hbm>>
          tpu.enqueue_indirect_dma source(%dma_start3A_98 : memref<253952x128xf32, #tpu.memory_space<hbm>>) target(%arg8 : memref<256x128xf32, #tpu.memory_space<vmem>>) offsets(%dma_start3A_95 : memref<256xi32, #tpu.memory_space<vmem>>) semaphore(%arg11 : memref<!tpu.dma_semaphore, #tpu.memory_space<semaphore_mem>>)
        } else {
        }
      } else {
      }
    }
    %scan3A_21 = arith.constant 9 : i32
    %dma_wait3A = arith.constant 0 : i32
    %dma_wait3A_22 = arith.constant 0 : i32
    %dma_wait3A_23 = tpu.memref_slice %arg4[%dma_wait3A, %dma_wait3A_22] : memref<204800x128xf32, #tpu.memory_space<hbm>> -> memref<256x128xf32, #tpu.memory_space<hbm>>
    %dma_wait3A_24 = arith.constant 0 : i32
    %dma_wait3A_25 = arith.constant 0 : i32
    %dma_wait3A_26 = tpu.memref_slice %arg4[%dma_wait3A_24, %dma_wait3A_25] : memref<204800x128xf32, #tpu.memory_space<hbm>> -> memref<256x128xf32, #tpu.memory_space<hbm>>
    tpu.wait_dma2 semaphore(%arg12 : memref<!tpu.dma_semaphore, #tpu.memory_space<semaphore_mem>>) src(%arg6 : memref<256x128xf32, #tpu.memory_space<vmem>>) dst(%dma_wait3A_26 : memref<256x128xf32, #tpu.memory_space<hbm>>)
    %dma_wait3A_27 = arith.constant 0 : i32
    %dma_wait3A_28 = arith.constant 0 : i32
    %dma_wait3A_29 = tpu.memref_slice %arg4[%dma_wait3A_27, %dma_wait3A_28] : memref<204800x128xf32, #tpu.memory_space<hbm>> -> memref<256x128xf32, #tpu.memory_space<hbm>>
    %dma_wait3A_30 = arith.constant 0 : i32
    %dma_wait3A_31 = arith.constant 0 : i32
    %dma_wait3A_32 = tpu.memref_slice %arg4[%dma_wait3A_30, %dma_wait3A_31] : memref<204800x128xf32, #tpu.memory_space<hbm>> -> memref<256x128xf32, #tpu.memory_space<hbm>>
    tpu.wait_dma2 semaphore(%arg13 : memref<!tpu.dma_semaphore, #tpu.memory_space<semaphore_mem>>) src(%arg7 : memref<256x128xf32, #tpu.memory_space<vmem>>) dst(%dma_wait3A_32 : memref<256x128xf32, #tpu.memory_space<hbm>>)
    %dma_wait3A_33 = arith.constant 0 : i32
    %dma_wait3A_34 = arith.constant 0 : i32
    %dma_wait3A_35 = tpu.memref_slice %arg4[%dma_wait3A_33, %dma_wait3A_34] : memref<204800x128xf32, #tpu.memory_space<hbm>> -> memref<256x128xf32, #tpu.memory_space<hbm>>
    %dma_wait3A_36 = arith.constant 0 : i32
    %dma_wait3A_37 = arith.constant 0 : i32
    %dma_wait3A_38 = tpu.memref_slice %arg4[%dma_wait3A_36, %dma_wait3A_37] : memref<204800x128xf32, #tpu.memory_space<hbm>> -> memref<256x128xf32, #tpu.memory_space<hbm>>
    tpu.wait_dma2 semaphore(%arg14 : memref<!tpu.dma_semaphore, #tpu.memory_space<semaphore_mem>>) src(%arg8 : memref<256x128xf32, #tpu.memory_space<vmem>>) dst(%dma_wait3A_38 : memref<256x128xf32, #tpu.memory_space<hbm>>)
    return
  }
}

module attributes {stable_mosaic.version = 14 : i64} {
  func.func @_repack_body(%arg0: i32, %arg1: memref<64x16384xf32, #tpu.memory_space<vmem>>, %arg2: memref<4096x128xf32, #tpu.memory_space<vmem>>) attributes {dimension_semantics = [#tpu.dimension_semantics<arbitrary>], iteration_bounds = array<i64: 62>, scalar_prefetch = 0 : i64, scratch_operands = 0 : i64, tpu.core_type = #tpu.core_type<tc>, window_params = [{transform_indices = @transform_0, window_bounds = array<i64: 64, 16384>}, {transform_indices = @transform_1, window_bounds = array<i64: 4096, 128>}]} {
    %get3A = arith.constant 0 : index
    %get3A_0 = arith.constant 0 : index
    %get3A_1 = vector.load %arg1[%get3A, %get3A_0] : memref<64x16384xf32, #tpu.memory_space<vmem>>, vector<64x16384xf32>
    %slice3A = vector.extract_strided_slice %get3A_1 {offsets = [0, 0], sizes = [64, 4096], strides = [1, 1]} : vector<64x16384xf32> to vector<64x4096xf32>
    %transpose3A = tpu.transpose %slice3A, [1, 0] : vector<64x4096xf32> -> vector<4096x64xf32>
    %bitcast_convert_type3A = tpu.bitcast %transpose3A : vector<4096x64xf32> -> vector<4096x64xi32>
    %add3A = arith.constant 32767 : i32
    %add3A_2 = vector.broadcast %add3A : i32 to vector<4096x64xi32>
    %add3A_3 = arith.addi %bitcast_convert_type3A, %add3A_2 : vector<4096x64xi32>
    %shift_right_logical3A = arith.constant 16 : i32
    %shift_right_logical3A_4 = vector.broadcast %shift_right_logical3A : i32 to vector<4096x64xi32>
    %shift_right_logical3A_5 = arith.shrui %bitcast_convert_type3A, %shift_right_logical3A_4 : vector<4096x64xi32>
    %and3A = arith.constant 1 : i32
    %and3A_6 = vector.broadcast %and3A : i32 to vector<4096x64xi32>
    %and3A_7 = arith.andi %shift_right_logical3A_5, %and3A_6 : vector<4096x64xi32>
    %add3A_8 = arith.addi %add3A_3, %and3A_7 : vector<4096x64xi32>
    %shift_right_logical3A_9 = arith.constant 16 : i32
    %shift_right_logical3A_10 = vector.broadcast %shift_right_logical3A_9 : i32 to vector<4096x64xi32>
    %shift_right_logical3A_11 = arith.shrui %add3A_8, %shift_right_logical3A_10 : vector<4096x64xi32>
    %slice3A_12 = vector.extract_strided_slice %get3A_1 {offsets = [0, 4096], sizes = [64, 4096], strides = [1, 1]} : vector<64x16384xf32> to vector<64x4096xf32>
    %transpose3A_13 = tpu.transpose %slice3A_12, [1, 0] : vector<64x4096xf32> -> vector<4096x64xf32>
    %bitcast_convert_type3A_14 = tpu.bitcast %transpose3A_13 : vector<4096x64xf32> -> vector<4096x64xi32>
    %add3A_15 = arith.constant 32767 : i32
    %add3A_16 = vector.broadcast %add3A_15 : i32 to vector<4096x64xi32>
    %add3A_17 = arith.addi %bitcast_convert_type3A_14, %add3A_16 : vector<4096x64xi32>
    %shift_right_logical3A_18 = arith.constant 16 : i32
    %shift_right_logical3A_19 = vector.broadcast %shift_right_logical3A_18 : i32 to vector<4096x64xi32>
    %shift_right_logical3A_20 = arith.shrui %bitcast_convert_type3A_14, %shift_right_logical3A_19 : vector<4096x64xi32>
    %and3A_21 = arith.constant 1 : i32
    %and3A_22 = vector.broadcast %and3A_21 : i32 to vector<4096x64xi32>
    %and3A_23 = arith.andi %shift_right_logical3A_20, %and3A_22 : vector<4096x64xi32>
    %add3A_24 = arith.addi %add3A_17, %and3A_23 : vector<4096x64xi32>
    %shift_right_logical3A_25 = arith.constant 16 : i32
    %shift_right_logical3A_26 = vector.broadcast %shift_right_logical3A_25 : i32 to vector<4096x64xi32>
    %shift_right_logical3A_27 = arith.shrui %add3A_24, %shift_right_logical3A_26 : vector<4096x64xi32>
    %slice3A_28 = vector.extract_strided_slice %get3A_1 {offsets = [0, 8192], sizes = [64, 4096], strides = [1, 1]} : vector<64x16384xf32> to vector<64x4096xf32>
    %transpose3A_29 = tpu.transpose %slice3A_28, [1, 0] : vector<64x4096xf32> -> vector<4096x64xf32>
    %bitcast_convert_type3A_30 = tpu.bitcast %transpose3A_29 : vector<4096x64xf32> -> vector<4096x64xi32>
    %add3A_31 = arith.constant 32767 : i32
    %add3A_32 = vector.broadcast %add3A_31 : i32 to vector<4096x64xi32>
    %add3A_33 = arith.addi %bitcast_convert_type3A_30, %add3A_32 : vector<4096x64xi32>
    %shift_right_logical3A_34 = arith.constant 16 : i32
    %shift_right_logical3A_35 = vector.broadcast %shift_right_logical3A_34 : i32 to vector<4096x64xi32>
    %shift_right_logical3A_36 = arith.shrui %bitcast_convert_type3A_30, %shift_right_logical3A_35 : vector<4096x64xi32>
    %and3A_37 = arith.constant 1 : i32
    %and3A_38 = vector.broadcast %and3A_37 : i32 to vector<4096x64xi32>
    %and3A_39 = arith.andi %shift_right_logical3A_36, %and3A_38 : vector<4096x64xi32>
    %add3A_40 = arith.addi %add3A_33, %and3A_39 : vector<4096x64xi32>
    %shift_right_logical3A_41 = arith.constant 16 : i32
    %shift_right_logical3A_42 = vector.broadcast %shift_right_logical3A_41 : i32 to vector<4096x64xi32>
    %shift_right_logical3A_43 = arith.shrui %add3A_40, %shift_right_logical3A_42 : vector<4096x64xi32>
    %slice3A_44 = vector.extract_strided_slice %get3A_1 {offsets = [0, 12288], sizes = [64, 4096], strides = [1, 1]} : vector<64x16384xf32> to vector<64x4096xf32>
    %transpose3A_45 = tpu.transpose %slice3A_44, [1, 0] : vector<64x4096xf32> -> vector<4096x64xf32>
    %bitcast_convert_type3A_46 = tpu.bitcast %transpose3A_45 : vector<4096x64xf32> -> vector<4096x64xi32>
    %add3A_47 = arith.constant 32767 : i32
    %add3A_48 = vector.broadcast %add3A_47 : i32 to vector<4096x64xi32>
    %add3A_49 = arith.addi %bitcast_convert_type3A_46, %add3A_48 : vector<4096x64xi32>
    %shift_right_logical3A_50 = arith.constant 16 : i32
    %shift_right_logical3A_51 = vector.broadcast %shift_right_logical3A_50 : i32 to vector<4096x64xi32>
    %shift_right_logical3A_52 = arith.shrui %bitcast_convert_type3A_46, %shift_right_logical3A_51 : vector<4096x64xi32>
    %and3A_53 = arith.constant 1 : i32
    %and3A_54 = vector.broadcast %and3A_53 : i32 to vector<4096x64xi32>
    %and3A_55 = arith.andi %shift_right_logical3A_52, %and3A_54 : vector<4096x64xi32>
    %add3A_56 = arith.addi %add3A_49, %and3A_55 : vector<4096x64xi32>
    %shift_right_logical3A_57 = arith.constant 16 : i32
    %shift_right_logical3A_58 = vector.broadcast %shift_right_logical3A_57 : i32 to vector<4096x64xi32>
    %shift_right_logical3A_59 = arith.shrui %add3A_56, %shift_right_logical3A_58 : vector<4096x64xi32>
    %shift_left3A = arith.constant 16 : i32
    %shift_left3A_60 = vector.broadcast %shift_left3A : i32 to vector<4096x64xi32>
    %shift_left3A_61 = arith.shli %shift_right_logical3A_27, %shift_left3A_60 : vector<4096x64xi32>
    %or3A = arith.ori %shift_left3A_61, %shift_right_logical3A_11 : vector<4096x64xi32>
    %bitcast_convert_type3A_62 = tpu.bitcast %or3A : vector<4096x64xi32> -> vector<4096x64xf32>
    %shift_left3A_63 = arith.constant 16 : i32
    %shift_left3A_64 = vector.broadcast %shift_left3A_63 : i32 to vector<4096x64xi32>
    %shift_left3A_65 = arith.shli %shift_right_logical3A_59, %shift_left3A_64 : vector<4096x64xi32>
    %or3A_66 = arith.ori %shift_left3A_65, %shift_right_logical3A_43 : vector<4096x64xi32>
    %bitcast_convert_type3A_67 = tpu.bitcast %or3A_66 : vector<4096x64xi32> -> vector<4096x64xf32>
    %concatenate3A = tpu.concatenate %bitcast_convert_type3A_62, %bitcast_convert_type3A_67 in 1 : vector<4096x64xf32>, vector<4096x64xf32> -> vector<4096x128xf32>
    %swap3A = arith.constant 0 : index
    %swap3A_68 = arith.constant 0 : index
    %swap3A_69 = vector.load %arg2[%swap3A, %swap3A_68] : memref<4096x128xf32, #tpu.memory_space<vmem>>, vector<4096x128xf32>
    tpu.vector_store %arg2[%swap3A, %swap3A_68], %concatenate3A {strides = array<i32>} : memref<4096x128xf32, #tpu.memory_space<vmem>>, vector<4096x128xf32>,
    return
  }
  func.func @transform_0(%arg0: i32) -> (i32, i32) {
    %c0_i32 = arith.constant 0 : i32
    %c0_i32_0 = arith.constant 0 : i32
    return %c0_i32, %arg0 : i32, i32
  }
  func.func @transform_1(%arg0: i32) -> (i32, i32) {
    %c0_i32 = arith.constant 0 : i32
    %c0_i32_0 = arith.constant 0 : i32
    return %arg0, %c0_i32 : i32, i32
  }
}

module attributes {stable_mosaic.version = 14 : i64} {
  func.func @_gru_body(%arg0: i32, %arg1: memref<8x1024x128xf32, #tpu.memory_space<vmem>>, %arg2: memref<8x1024xi32, #tpu.memory_space<vmem>>, %arg3: memref<64x384xf32, #tpu.memory_space<vmem>>, %arg4: memref<128x384xf32, #tpu.memory_space<vmem>>, %arg5: memref<1x384xf32, #tpu.memory_space<vmem>>, %arg6: memref<1024x8x128xf32, #tpu.memory_space<vmem>>, %arg7: memref<1024x128xf32, #tpu.memory_space<vmem>>) attributes {dimension_semantics = [#tpu.dimension_semantics<arbitrary>], iteration_bounds = array<i64: 25>, scalar_prefetch = 0 : i64, scratch_operands = 1 : i64, tpu.core_type = #tpu.core_type<tc>, window_params = [{transform_indices = @transform_0, window_bounds = array<i64: 8, 1024, 128>}, {transform_indices = @transform_1, window_bounds = array<i64: 8, 1024>}, {pipeline_mode = #tpu.pipeline_mode<synchronous>, transform_indices = @transform_2, window_bounds = array<i64: 64, 384>}, {pipeline_mode = #tpu.pipeline_mode<synchronous>, transform_indices = @transform_3, window_bounds = array<i64: 128, 384>}, {pipeline_mode = #tpu.pipeline_mode<synchronous>, transform_indices = @transform_4, window_bounds = array<i64: 1, 384>}, {transform_indices = @transform_5, window_bounds = array<i64: 1024, 8, 128>}]} {
    %eq3A = arith.constant 0 : i32
    %eq3A_0 = arith.cmpi eq, %arg0, %eq3A : i32
    %convert_element_type3A = arith.extui %eq3A_0 : i1 to i32
    %cond3A = arith.constant 0 : i32
    %cond3A_1 = arith.cmpi ne, %convert_element_type3A, %cond3A : i32
    scf.if %cond3A_1 {
      %broadcast_in_dim3A_626 = arith.constant 0.000000e+00 : f32
      %broadcast_in_dim3A_627 = vector.broadcast %broadcast_in_dim3A_626 : f32 to vector<1024x128xf32>
      %swap3A_628 = arith.constant 0 : index
      %swap3A_629 = arith.constant 0 : index
      %swap3A_630 = vector.load %arg7[%swap3A_628, %swap3A_629] : memref<1024x128xf32, #tpu.memory_space<vmem>>, vector<1024x128xf32>
      tpu.vector_store %arg7[%swap3A_628, %swap3A_629], %broadcast_in_dim3A_627 {strides = array<i32>} : memref<1024x128xf32, #tpu.memory_space<vmem>>, vector<1024x128xf32>,
    } else {
    }
    %get3A = arith.constant 0 : index
    %get3A_2 = arith.constant 0 : index
    %get3A_3 = vector.load %arg7[%get3A, %get3A_2] : memref<1024x128xf32, #tpu.memory_space<vmem>>, vector<1024x128xf32>
    %get3A_4 = arith.constant 0 : index
    %get3A_5 = arith.constant 0 : index
    %get3A_6 = vector.load %arg4[%get3A_4, %get3A_5] : memref<128x384xf32, #tpu.memory_space<vmem>>, vector<128x384xf32>
    %convert_element_type3A_7 = arith.truncf %get3A_6 : vector<128x384xf32> to vector<128x384xbf16>
    %get3A_8 = arith.constant 0 : index
    %get3A_9 = arith.constant 0 : index
    %get3A_10 = vector.load %arg3[%get3A_8, %get3A_9] : memref<64x384xf32, #tpu.memory_space<vmem>>, vector<64x384xf32>
    %convert_element_type3A_11 = arith.truncf %get3A_10 : vector<64x384xf32> to vector<64x384xbf16>
    %get3A_12 = arith.constant 0 : index
    %get3A_13 = arith.constant 0 : index
    %get3A_14 = vector.load %arg5[%get3A_12, %get3A_13] : memref<1x384xf32, #tpu.memory_space<vmem>>, vector<1x384xf32>
    %get3A_15 = arith.constant 0 : index
    %get3A_16 = arith.constant 0 : index
    %get3A_17 = arith.constant 0 : index
    %get3A_18 = vector.load %arg1[%get3A_15, %get3A_16, %get3A_17] : memref<8x1024x128xf32, #tpu.memory_space<vmem>>, vector<1x1024x128xf32>
    %get3A_19 = vector.shape_cast %get3A_18 : vector<1x1024x128xf32> to vector<1024x128xf32>
    %get3A_20 = arith.constant 0 : index
    %get3A_21 = arith.constant 0 : index
    %get3A_22 = vector.load %arg2[%get3A_20, %get3A_21] : memref<8x1024xi32, #tpu.memory_space<vmem>>, vector<1x1024xi32>
    %get3A_23 = vector.shape_cast %get3A_22 : vector<1x1024xi32> to vector<1024xi32>
    %reshape3A = vector.shape_cast %get3A_23 : vector<1024xi32> to vector<1024x1xi32>
    %bitcast_convert_type3A = tpu.bitcast %get3A_19 : vector<1024x128xf32> -> vector<1024x128xi32>
    %ge3A = arith.constant 2 : i32
    %ge3A_24 = vector.broadcast %ge3A : i32 to vector<1024x1xi32>
    %ge3A_25 = arith.cmpi sge, %reshape3A, %ge3A_24 : vector<1024x1xi32>
    %slice3A = vector.extract_strided_slice %bitcast_convert_type3A {offsets = [0, 64], sizes = [1024, 64], strides = [1, 1]} : vector<1024x128xi32> to vector<1024x64xi32>
    %slice3A_26 = vector.extract_strided_slice %bitcast_convert_type3A {offsets = [0, 0], sizes = [1024, 64], strides = [1, 1]} : vector<1024x128xi32> to vector<1024x64xi32>
    %broadcast_in_dim3A = vector.shape_cast %ge3A_25 : vector<1024x1xi1> to vector<1024x1xi1>
    %broadcast_in_dim3A_27 = vector.broadcast %broadcast_in_dim3A : vector<1024x1xi1> to vector<1024x64xi1>
    %select_n3A = arith.select %broadcast_in_dim3A_27, %slice3A, %slice3A_26 : vector<1024x64xi1>, vector<1024x64xi32>
    %and3A = arith.constant 1 : i32
    %and3A_28 = vector.broadcast %and3A : i32 to vector<1024x1xi32>
    %and3A_29 = arith.andi %reshape3A, %and3A_28 : vector<1024x1xi32>
    %gt3A = arith.constant 0 : i32
    %gt3A_30 = vector.broadcast %gt3A : i32 to vector<1024x1xi32>
    %gt3A_31 = arith.cmpi sgt, %and3A_29, %gt3A_30 : vector<1024x1xi32>
    %and3A_32 = arith.constant -65536 : i32
    %and3A_33 = vector.broadcast %and3A_32 : i32 to vector<1024x64xi32>
    %and3A_34 = arith.andi %select_n3A, %and3A_33 : vector<1024x64xi32>
    %shift_left3A = arith.constant 16 : i32
    %shift_left3A_35 = vector.broadcast %shift_left3A : i32 to vector<1024x64xi32>
    %shift_left3A_36 = arith.shli %select_n3A, %shift_left3A_35 : vector<1024x64xi32>
    %broadcast_in_dim3A_37 = vector.shape_cast %gt3A_31 : vector<1024x1xi1> to vector<1024x1xi1>
    %broadcast_in_dim3A_38 = vector.broadcast %broadcast_in_dim3A_37 : vector<1024x1xi1> to vector<1024x64xi1>
    %select_n3A_39 = arith.select %broadcast_in_dim3A_38, %and3A_34, %shift_left3A_36 : vector<1024x64xi1>, vector<1024x64xi32>
    %bitcast_convert_type3A_40 = tpu.bitcast %select_n3A_39 : vector<1024x64xi32> -> vector<1024x64xf32>
    %convert_element_type3A_41 = arith.truncf %bitcast_convert_type3A_40 : vector<1024x64xf32> to vector<1024x64xbf16>
    %dot_general3A = arith.constant dense<0.000000e+00> : vector<1024x384xf32>
    %dot_general3A_42 = tpu.matmul %convert_element_type3A_41, %convert_element_type3A_11, %dot_general3A {dimension_numbers = #tpu.dot_dimension_numbers<[1], [0], [0], [1], [0, 0, 1, 1], [], []>, transpose_lhs_hint = false} : vector<1024x64xbf16>, vector<64x384xbf16>, vector<1024x384xf32> -> vector<1024x384xf32>
    %add3A = vector.broadcast %get3A_14 : vector<1x384xf32> to vector<1024x384xf32>
    %add3A_43 = arith.addf %dot_general3A_42, %add3A : vector<1024x384xf32>
    %convert_element_type3A_44 = arith.truncf %get3A_3 : vector<1024x128xf32> to vector<1024x128xbf16>
    %dot_general3A_45 = arith.constant dense<0.000000e+00> : vector<1024x384xf32>
    %dot_general3A_46 = tpu.matmul %convert_element_type3A_44, %convert_element_type3A_7, %dot_general3A_45 {dimension_numbers = #tpu.dot_dimension_numbers<[1], [0], [0], [1], [0, 0, 1, 1], [], []>, transpose_lhs_hint = false} : vector<1024x128xbf16>, vector<128x384xbf16>, vector<1024x384xf32> -> vector<1024x384xf32>
    %slice3A_47 = vector.extract_strided_slice %add3A_43 {offsets = [0, 0], sizes = [1024, 128], strides = [1, 1]} : vector<1024x384xf32> to vector<1024x128xf32>
    %slice3A_48 = vector.extract_strided_slice %dot_general3A_46 {offsets = [0, 0], sizes = [1024, 128], strides = [1, 1]} : vector<1024x384xf32> to vector<1024x128xf32>
    %add3A_49 = arith.addf %slice3A_47, %slice3A_48 : vector<1024x128xf32>
    %logistic3A = arith.negf %add3A_49 : vector<1024x128xf32>
    %logistic3A_50 = math.exp %logistic3A : vector<1024x128xf32>
    %logistic3A_51 = arith.constant 1.000000e+00 : f32
    %logistic3A_52 = vector.broadcast %logistic3A_51 : f32 to vector<1024x128xf32>
    %logistic3A_53 = arith.addf %logistic3A_52, %logistic3A_50 : vector<1024x128xf32>
    %logistic3A_54 = arith.divf %logistic3A_52, %logistic3A_53 : vector<1024x128xf32>
    %slice3A_55 = vector.extract_strided_slice %add3A_43 {offsets = [0, 128], sizes = [1024, 128], strides = [1, 1]} : vector<1024x384xf32> to vector<1024x128xf32>
    %slice3A_56 = vector.extract_strided_slice %dot_general3A_46 {offsets = [0, 128], sizes = [1024, 128], strides = [1, 1]} : vector<1024x384xf32> to vector<1024x128xf32>
    %add3A_57 = arith.addf %slice3A_55, %slice3A_56 : vector<1024x128xf32>
    %logistic3A_58 = arith.negf %add3A_57 : vector<1024x128xf32>
    %logistic3A_59 = math.exp %logistic3A_58 : vector<1024x128xf32>
    %logistic3A_60 = arith.constant 1.000000e+00 : f32
    %logistic3A_61 = vector.broadcast %logistic3A_60 : f32 to vector<1024x128xf32>
    %logistic3A_62 = arith.addf %logistic3A_61, %logistic3A_59 : vector<1024x128xf32>
    %logistic3A_63 = arith.divf %logistic3A_61, %logistic3A_62 : vector<1024x128xf32>
    %slice3A_64 = vector.extract_strided_slice %add3A_43 {offsets = [0, 256], sizes = [1024, 128], strides = [1, 1]} : vector<1024x384xf32> to vector<1024x128xf32>
    %slice3A_65 = vector.extract_strided_slice %dot_general3A_46 {offsets = [0, 256], sizes = [1024, 128], strides = [1, 1]} : vector<1024x384xf32> to vector<1024x128xf32>
    %mul3A = arith.mulf %logistic3A_63, %slice3A_65 : vector<1024x128xf32>
    %add3A_66 = arith.addf %slice3A_64, %mul3A : vector<1024x128xf32>
    %tanh3A = math.tanh %add3A_66 : vector<1024x128xf32>
    %mul3A_67 = arith.mulf %logistic3A_54, %get3A_3 : vector<1024x128xf32>
    %sub3A = arith.constant 1.000000e+00 : f32
    %sub3A_68 = vector.broadcast %sub3A : f32 to vector<1024x128xf32>
    %sub3A_69 = arith.subf %sub3A_68, %logistic3A_54 : vector<1024x128xf32>
    %mul3A_70 = arith.mulf %sub3A_69, %tanh3A : vector<1024x128xf32>
    %add3A_71 = arith.addf %mul3A_67, %mul3A_70 : vector<1024x128xf32>
    %swap3A = arith.constant 0 : index
    %swap3A_72 = arith.constant 0 : index
    %swap3A_73 = arith.constant 0 : index
    %swap3A_74 = vector.load %arg6[%swap3A, %swap3A_72, %swap3A_73] : memref<1024x8x128xf32, #tpu.memory_space<vmem>>, vector<1024x1x128xf32>
    %swap3A_75 = vector.shape_cast %swap3A_74 : vector<1024x1x128xf32> to vector<1024x128xf32>
    %swap3A_76 = vector.shape_cast %add3A_71 : vector<1024x128xf32> to vector<1024x1x128xf32>
    tpu.vector_store %arg6[%swap3A, %swap3A_72, %swap3A_73], %swap3A_76 {strides = array<i32>} : memref<1024x8x128xf32, #tpu.memory_space<vmem>>, vector<1024x1x128xf32>,
    %get3A_77 = arith.constant 1 : index
    %get3A_78 = arith.constant 0 : index
    %get3A_79 = arith.constant 0 : index
    %get3A_80 = vector.load %arg1[%get3A_77, %get3A_78, %get3A_79] : memref<8x1024x128xf32, #tpu.memory_space<vmem>>, vector<1x1024x128xf32>
    %get3A_81 = vector.shape_cast %get3A_80 : vector<1x1024x128xf32> to vector<1024x128xf32>
    %get3A_82 = arith.constant 1 : index
    %get3A_83 = arith.constant 0 : index
    %get3A_84 = vector.load %arg2[%get3A_82, %get3A_83] : memref<8x1024xi32, #tpu.memory_space<vmem>>, vector<1x1024xi32>
    %get3A_85 = vector.shape_cast %get3A_84 : vector<1x1024xi32> to vector<1024xi32>
    %reshape3A_86 = vector.shape_cast %get3A_85 : vector<1024xi32> to vector<1024x1xi32>
    %bitcast_convert_type3A_87 = tpu.bitcast %get3A_81 : vector<1024x128xf32> -> vector<1024x128xi32>
    %ge3A_88 = arith.constant 2 : i32
    %ge3A_89 = vector.broadcast %ge3A_88 : i32 to vector<1024x1xi32>
    %ge3A_90 = arith.cmpi sge, %reshape3A_86, %ge3A_89 : vector<1024x1xi32>
    %slice3A_91 = vector.extract_strided_slice %bitcast_convert_type3A_87 {offsets = [0, 64], sizes = [1024, 64], strides = [1, 1]} : vector<1024x128xi32> to vector<1024x64xi32>
    %slice3A_92 = vector.extract_strided_slice %bitcast_convert_type3A_87 {offsets = [0, 0], sizes = [1024, 64], strides = [1, 1]} : vector<1024x128xi32> to vector<1024x64xi32>
    %broadcast_in_dim3A_93 = vector.shape_cast %ge3A_90 : vector<1024x1xi1> to vector<1024x1xi1>
    %broadcast_in_dim3A_94 = vector.broadcast %broadcast_in_dim3A_93 : vector<1024x1xi1> to vector<1024x64xi1>
    %select_n3A_95 = arith.select %broadcast_in_dim3A_94, %slice3A_91, %slice3A_92 : vector<1024x64xi1>, vector<1024x64xi32>
    %and3A_96 = arith.constant 1 : i32
    %and3A_97 = vector.broadcast %and3A_96 : i32 to vector<1024x1xi32>
    %and3A_98 = arith.andi %reshape3A_86, %and3A_97 : vector<1024x1xi32>
    %gt3A_99 = arith.constant 0 : i32
    %gt3A_100 = vector.broadcast %gt3A_99 : i32 to vector<1024x1xi32>
    %gt3A_101 = arith.cmpi sgt, %and3A_98, %gt3A_100 : vector<1024x1xi32>
    %and3A_102 = arith.constant -65536 : i32
    %and3A_103 = vector.broadcast %and3A_102 : i32 to vector<1024x64xi32>
    %and3A_104 = arith.andi %select_n3A_95, %and3A_103 : vector<1024x64xi32>
    %shift_left3A_105 = arith.constant 16 : i32
    %shift_left3A_106 = vector.broadcast %shift_left3A_105 : i32 to vector<1024x64xi32>
    %shift_left3A_107 = arith.shli %select_n3A_95, %shift_left3A_106 : vector<1024x64xi32>
    %broadcast_in_dim3A_108 = vector.shape_cast %gt3A_101 : vector<1024x1xi1> to vector<1024x1xi1>
    %broadcast_in_dim3A_109 = vector.broadcast %broadcast_in_dim3A_108 : vector<1024x1xi1> to vector<1024x64xi1>
    %select_n3A_110 = arith.select %broadcast_in_dim3A_109, %and3A_104, %shift_left3A_107 : vector<1024x64xi1>, vector<1024x64xi32>
    %bitcast_convert_type3A_111 = tpu.bitcast %select_n3A_110 : vector<1024x64xi32> -> vector<1024x64xf32>
    %convert_element_type3A_112 = arith.truncf %bitcast_convert_type3A_111 : vector<1024x64xf32> to vector<1024x64xbf16>
    %dot_general3A_113 = arith.constant dense<0.000000e+00> : vector<1024x384xf32>
    %dot_general3A_114 = tpu.matmul %convert_element_type3A_112, %convert_element_type3A_11, %dot_general3A_113 {dimension_numbers = #tpu.dot_dimension_numbers<[1], [0], [0], [1], [0, 0, 1, 1], [], []>, transpose_lhs_hint = false} : vector<1024x64xbf16>, vector<64x384xbf16>, vector<1024x384xf32> -> vector<1024x384xf32>
    %add3A_115 = vector.broadcast %get3A_14 : vector<1x384xf32> to vector<1024x384xf32>
    %add3A_116 = arith.addf %dot_general3A_114, %add3A_115 : vector<1024x384xf32>
    %convert_element_type3A_117 = arith.truncf %add3A_71 : vector<1024x128xf32> to vector<1024x128xbf16>
    %dot_general3A_118 = arith.constant dense<0.000000e+00> : vector<1024x384xf32>
    %dot_general3A_119 = tpu.matmul %convert_element_type3A_117, %convert_element_type3A_7, %dot_general3A_118 {dimension_numbers = #tpu.dot_dimension_numbers<[1], [0], [0], [1], [0, 0, 1, 1], [], []>, transpose_lhs_hint = false} : vector<1024x128xbf16>, vector<128x384xbf16>, vector<1024x384xf32> -> vector<1024x384xf32>
    %slice3A_120 = vector.extract_strided_slice %add3A_116 {offsets = [0, 0], sizes = [1024, 128], strides = [1, 1]} : vector<1024x384xf32> to vector<1024x128xf32>
    %slice3A_121 = vector.extract_strided_slice %dot_general3A_119 {offsets = [0, 0], sizes = [1024, 128], strides = [1, 1]} : vector<1024x384xf32> to vector<1024x128xf32>
    %add3A_122 = arith.addf %slice3A_120, %slice3A_121 : vector<1024x128xf32>
    %logistic3A_123 = arith.negf %add3A_122 : vector<1024x128xf32>
    %logistic3A_124 = math.exp %logistic3A_123 : vector<1024x128xf32>
    %logistic3A_125 = arith.constant 1.000000e+00 : f32
    %logistic3A_126 = vector.broadcast %logistic3A_125 : f32 to vector<1024x128xf32>
    %logistic3A_127 = arith.addf %logistic3A_126, %logistic3A_124 : vector<1024x128xf32>
    %logistic3A_128 = arith.divf %logistic3A_126, %logistic3A_127 : vector<1024x128xf32>
    %slice3A_129 = vector.extract_strided_slice %add3A_116 {offsets = [0, 128], sizes = [1024, 128], strides = [1, 1]} : vector<1024x384xf32> to vector<1024x128xf32>
    %slice3A_130 = vector.extract_strided_slice %dot_general3A_119 {offsets = [0, 128], sizes = [1024, 128], strides = [1, 1]} : vector<1024x384xf32> to vector<1024x128xf32>
    %add3A_131 = arith.addf %slice3A_129, %slice3A_130 : vector<1024x128xf32>
    %logistic3A_132 = arith.negf %add3A_131 : vector<1024x128xf32>
    %logistic3A_133 = math.exp %logistic3A_132 : vector<1024x128xf32>
    %logistic3A_134 = arith.constant 1.000000e+00 : f32
    %logistic3A_135 = vector.broadcast %logistic3A_134 : f32 to vector<1024x128xf32>
    %logistic3A_136 = arith.addf %logistic3A_135, %logistic3A_133 : vector<1024x128xf32>
    %logistic3A_137 = arith.divf %logistic3A_135, %logistic3A_136 : vector<1024x128xf32>
    %slice3A_138 = vector.extract_strided_slice %add3A_116 {offsets = [0, 256], sizes = [1024, 128], strides = [1, 1]} : vector<1024x384xf32> to vector<1024x128xf32>
    %slice3A_139 = vector.extract_strided_slice %dot_general3A_119 {offsets = [0, 256], sizes = [1024, 128], strides = [1, 1]} : vector<1024x384xf32> to vector<1024x128xf32>
    %mul3A_140 = arith.mulf %logistic3A_137, %slice3A_139 : vector<1024x128xf32>
    %add3A_141 = arith.addf %slice3A_138, %mul3A_140 : vector<1024x128xf32>
    %tanh3A_142 = math.tanh %add3A_141 : vector<1024x128xf32>
    %mul3A_143 = arith.mulf %logistic3A_128, %add3A_71 : vector<1024x128xf32>
    %sub3A_144 = arith.constant 1.000000e+00 : f32
    %sub3A_145 = vector.broadcast %sub3A_144 : f32 to vector<1024x128xf32>
    %sub3A_146 = arith.subf %sub3A_145, %logistic3A_128 : vector<1024x128xf32>
    %mul3A_147 = arith.mulf %sub3A_146, %tanh3A_142 : vector<1024x128xf32>
    %add3A_148 = arith.addf %mul3A_143, %mul3A_147 : vector<1024x128xf32>
    %swap3A_149 = arith.constant 0 : index
    %swap3A_150 = arith.constant 1 : index
    %swap3A_151 = arith.constant 0 : index
    %swap3A_152 = vector.load %arg6[%swap3A_149, %swap3A_150, %swap3A_151] : memref<1024x8x128xf32, #tpu.memory_space<vmem>>, vector<1024x1x128xf32>
    %swap3A_153 = vector.shape_cast %swap3A_152 : vector<1024x1x128xf32> to vector<1024x128xf32>
    %swap3A_154 = vector.shape_cast %add3A_148 : vector<1024x128xf32> to vector<1024x1x128xf32>
    tpu.vector_store %arg6[%swap3A_149, %swap3A_150, %swap3A_151], %swap3A_154 {strides = array<i32>} : memref<1024x8x128xf32, #tpu.memory_space<vmem>>, vector<1024x1x128xf32>,
    %get3A_155 = arith.constant 2 : index
    %get3A_156 = arith.constant 0 : index
    %get3A_157 = arith.constant 0 : index
    %get3A_158 = vector.load %arg1[%get3A_155, %get3A_156, %get3A_157] : memref<8x1024x128xf32, #tpu.memory_space<vmem>>, vector<1x1024x128xf32>
    %get3A_159 = vector.shape_cast %get3A_158 : vector<1x1024x128xf32> to vector<1024x128xf32>
    %get3A_160 = arith.constant 2 : index
    %get3A_161 = arith.constant 0 : index
    %get3A_162 = vector.load %arg2[%get3A_160, %get3A_161] : memref<8x1024xi32, #tpu.memory_space<vmem>>, vector<1x1024xi32>
    %get3A_163 = vector.shape_cast %get3A_162 : vector<1x1024xi32> to vector<1024xi32>
    %reshape3A_164 = vector.shape_cast %get3A_163 : vector<1024xi32> to vector<1024x1xi32>
    %bitcast_convert_type3A_165 = tpu.bitcast %get3A_159 : vector<1024x128xf32> -> vector<1024x128xi32>
    %ge3A_166 = arith.constant 2 : i32
    %ge3A_167 = vector.broadcast %ge3A_166 : i32 to vector<1024x1xi32>
    %ge3A_168 = arith.cmpi sge, %reshape3A_164, %ge3A_167 : vector<1024x1xi32>
    %slice3A_169 = vector.extract_strided_slice %bitcast_convert_type3A_165 {offsets = [0, 64], sizes = [1024, 64], strides = [1, 1]} : vector<1024x128xi32> to vector<1024x64xi32>
    %slice3A_170 = vector.extract_strided_slice %bitcast_convert_type3A_165 {offsets = [0, 0], sizes = [1024, 64], strides = [1, 1]} : vector<1024x128xi32> to vector<1024x64xi32>
    %broadcast_in_dim3A_171 = vector.shape_cast %ge3A_168 : vector<1024x1xi1> to vector<1024x1xi1>
    %broadcast_in_dim3A_172 = vector.broadcast %broadcast_in_dim3A_171 : vector<1024x1xi1> to vector<1024x64xi1>
    %select_n3A_173 = arith.select %broadcast_in_dim3A_172, %slice3A_169, %slice3A_170 : vector<1024x64xi1>, vector<1024x64xi32>
    %and3A_174 = arith.constant 1 : i32
    %and3A_175 = vector.broadcast %and3A_174 : i32 to vector<1024x1xi32>
    %and3A_176 = arith.andi %reshape3A_164, %and3A_175 : vector<1024x1xi32>
    %gt3A_177 = arith.constant 0 : i32
    %gt3A_178 = vector.broadcast %gt3A_177 : i32 to vector<1024x1xi32>
    %gt3A_179 = arith.cmpi sgt, %and3A_176, %gt3A_178 : vector<1024x1xi32>
    %and3A_180 = arith.constant -65536 : i32
    %and3A_181 = vector.broadcast %and3A_180 : i32 to vector<1024x64xi32>
    %and3A_182 = arith.andi %select_n3A_173, %and3A_181 : vector<1024x64xi32>
    %shift_left3A_183 = arith.constant 16 : i32
    %shift_left3A_184 = vector.broadcast %shift_left3A_183 : i32 to vector<1024x64xi32>
    %shift_left3A_185 = arith.shli %select_n3A_173, %shift_left3A_184 : vector<1024x64xi32>
    %broadcast_in_dim3A_186 = vector.shape_cast %gt3A_179 : vector<1024x1xi1> to vector<1024x1xi1>
    %broadcast_in_dim3A_187 = vector.broadcast %broadcast_in_dim3A_186 : vector<1024x1xi1> to vector<1024x64xi1>
    %select_n3A_188 = arith.select %broadcast_in_dim3A_187, %and3A_182, %shift_left3A_185 : vector<1024x64xi1>, vector<1024x64xi32>
    %bitcast_convert_type3A_189 = tpu.bitcast %select_n3A_188 : vector<1024x64xi32> -> vector<1024x64xf32>
    %convert_element_type3A_190 = arith.truncf %bitcast_convert_type3A_189 : vector<1024x64xf32> to vector<1024x64xbf16>
    %dot_general3A_191 = arith.constant dense<0.000000e+00> : vector<1024x384xf32>
    %dot_general3A_192 = tpu.matmul %convert_element_type3A_190, %convert_element_type3A_11, %dot_general3A_191 {dimension_numbers = #tpu.dot_dimension_numbers<[1], [0], [0], [1], [0, 0, 1, 1], [], []>, transpose_lhs_hint = false} : vector<1024x64xbf16>, vector<64x384xbf16>, vector<1024x384xf32> -> vector<1024x384xf32>
    %add3A_193 = vector.broadcast %get3A_14 : vector<1x384xf32> to vector<1024x384xf32>
    %add3A_194 = arith.addf %dot_general3A_192, %add3A_193 : vector<1024x384xf32>
    %convert_element_type3A_195 = arith.truncf %add3A_148 : vector<1024x128xf32> to vector<1024x128xbf16>
    %dot_general3A_196 = arith.constant dense<0.000000e+00> : vector<1024x384xf32>
    %dot_general3A_197 = tpu.matmul %convert_element_type3A_195, %convert_element_type3A_7, %dot_general3A_196 {dimension_numbers = #tpu.dot_dimension_numbers<[1], [0], [0], [1], [0, 0, 1, 1], [], []>, transpose_lhs_hint = false} : vector<1024x128xbf16>, vector<128x384xbf16>, vector<1024x384xf32> -> vector<1024x384xf32>
    %slice3A_198 = vector.extract_strided_slice %add3A_194 {offsets = [0, 0], sizes = [1024, 128], strides = [1, 1]} : vector<1024x384xf32> to vector<1024x128xf32>
    %slice3A_199 = vector.extract_strided_slice %dot_general3A_197 {offsets = [0, 0], sizes = [1024, 128], strides = [1, 1]} : vector<1024x384xf32> to vector<1024x128xf32>
    %add3A_200 = arith.addf %slice3A_198, %slice3A_199 : vector<1024x128xf32>
    %logistic3A_201 = arith.negf %add3A_200 : vector<1024x128xf32>
    %logistic3A_202 = math.exp %logistic3A_201 : vector<1024x128xf32>
    %logistic3A_203 = arith.constant 1.000000e+00 : f32
    %logistic3A_204 = vector.broadcast %logistic3A_203 : f32 to vector<1024x128xf32>
    %logistic3A_205 = arith.addf %logistic3A_204, %logistic3A_202 : vector<1024x128xf32>
    %logistic3A_206 = arith.divf %logistic3A_204, %logistic3A_205 : vector<1024x128xf32>
    %slice3A_207 = vector.extract_strided_slice %add3A_194 {offsets = [0, 128], sizes = [1024, 128], strides = [1, 1]} : vector<1024x384xf32> to vector<1024x128xf32>
    %slice3A_208 = vector.extract_strided_slice %dot_general3A_197 {offsets = [0, 128], sizes = [1024, 128], strides = [1, 1]} : vector<1024x384xf32> to vector<1024x128xf32>
    %add3A_209 = arith.addf %slice3A_207, %slice3A_208 : vector<1024x128xf32>
    %logistic3A_210 = arith.negf %add3A_209 : vector<1024x128xf32>
    %logistic3A_211 = math.exp %logistic3A_210 : vector<1024x128xf32>
    %logistic3A_212 = arith.constant 1.000000e+00 : f32
    %logistic3A_213 = vector.broadcast %logistic3A_212 : f32 to vector<1024x128xf32>
    %logistic3A_214 = arith.addf %logistic3A_213, %logistic3A_211 : vector<1024x128xf32>
    %logistic3A_215 = arith.divf %logistic3A_213, %logistic3A_214 : vector<1024x128xf32>
    %slice3A_216 = vector.extract_strided_slice %add3A_194 {offsets = [0, 256], sizes = [1024, 128], strides = [1, 1]} : vector<1024x384xf32> to vector<1024x128xf32>
    %slice3A_217 = vector.extract_strided_slice %dot_general3A_197 {offsets = [0, 256], sizes = [1024, 128], strides = [1, 1]} : vector<1024x384xf32> to vector<1024x128xf32>
    %mul3A_218 = arith.mulf %logistic3A_215, %slice3A_217 : vector<1024x128xf32>
    %add3A_219 = arith.addf %slice3A_216, %mul3A_218 : vector<1024x128xf32>
    %tanh3A_220 = math.tanh %add3A_219 : vector<1024x128xf32>
    %mul3A_221 = arith.mulf %logistic3A_206, %add3A_148 : vector<1024x128xf32>
    %sub3A_222 = arith.constant 1.000000e+00 : f32
    %sub3A_223 = vector.broadcast %sub3A_222 : f32 to vector<1024x128xf32>
    %sub3A_224 = arith.subf %sub3A_223, %logistic3A_206 : vector<1024x128xf32>
    %mul3A_225 = arith.mulf %sub3A_224, %tanh3A_220 : vector<1024x128xf32>
    %add3A_226 = arith.addf %mul3A_221, %mul3A_225 : vector<1024x128xf32>
    %swap3A_227 = arith.constant 0 : index
    %swap3A_228 = arith.constant 2 : index
    %swap3A_229 = arith.constant 0 : index
    %swap3A_230 = vector.load %arg6[%swap3A_227, %swap3A_228, %swap3A_229] : memref<1024x8x128xf32, #tpu.memory_space<vmem>>, vector<1024x1x128xf32>
    %swap3A_231 = vector.shape_cast %swap3A_230 : vector<1024x1x128xf32> to vector<1024x128xf32>
    %swap3A_232 = vector.shape_cast %add3A_226 : vector<1024x128xf32> to vector<1024x1x128xf32>
    tpu.vector_store %arg6[%swap3A_227, %swap3A_228, %swap3A_229], %swap3A_232 {strides = array<i32>} : memref<1024x8x128xf32, #tpu.memory_space<vmem>>, vector<1024x1x128xf32>,
    %get3A_233 = arith.constant 3 : index
    %get3A_234 = arith.constant 0 : index
    %get3A_235 = arith.constant 0 : index
    %get3A_236 = vector.load %arg1[%get3A_233, %get3A_234, %get3A_235] : memref<8x1024x128xf32, #tpu.memory_space<vmem>>, vector<1x1024x128xf32>
    %get3A_237 = vector.shape_cast %get3A_236 : vector<1x1024x128xf32> to vector<1024x128xf32>
    %get3A_238 = arith.constant 3 : index
    %get3A_239 = arith.constant 0 : index
    %get3A_240 = vector.load %arg2[%get3A_238, %get3A_239] : memref<8x1024xi32, #tpu.memory_space<vmem>>, vector<1x1024xi32>
    %get3A_241 = vector.shape_cast %get3A_240 : vector<1x1024xi32> to vector<1024xi32>
    %reshape3A_242 = vector.shape_cast %get3A_241 : vector<1024xi32> to vector<1024x1xi32>
    %bitcast_convert_type3A_243 = tpu.bitcast %get3A_237 : vector<1024x128xf32> -> vector<1024x128xi32>
    %ge3A_244 = arith.constant 2 : i32
    %ge3A_245 = vector.broadcast %ge3A_244 : i32 to vector<1024x1xi32>
    %ge3A_246 = arith.cmpi sge, %reshape3A_242, %ge3A_245 : vector<1024x1xi32>
    %slice3A_247 = vector.extract_strided_slice %bitcast_convert_type3A_243 {offsets = [0, 64], sizes = [1024, 64], strides = [1, 1]} : vector<1024x128xi32> to vector<1024x64xi32>
    %slice3A_248 = vector.extract_strided_slice %bitcast_convert_type3A_243 {offsets = [0, 0], sizes = [1024, 64], strides = [1, 1]} : vector<1024x128xi32> to vector<1024x64xi32>
    %broadcast_in_dim3A_249 = vector.shape_cast %ge3A_246 : vector<1024x1xi1> to vector<1024x1xi1>
    %broadcast_in_dim3A_250 = vector.broadcast %broadcast_in_dim3A_249 : vector<1024x1xi1> to vector<1024x64xi1>
    %select_n3A_251 = arith.select %broadcast_in_dim3A_250, %slice3A_247, %slice3A_248 : vector<1024x64xi1>, vector<1024x64xi32>
    %and3A_252 = arith.constant 1 : i32
    %and3A_253 = vector.broadcast %and3A_252 : i32 to vector<1024x1xi32>
    %and3A_254 = arith.andi %reshape3A_242, %and3A_253 : vector<1024x1xi32>
    %gt3A_255 = arith.constant 0 : i32
    %gt3A_256 = vector.broadcast %gt3A_255 : i32 to vector<1024x1xi32>
    %gt3A_257 = arith.cmpi sgt, %and3A_254, %gt3A_256 : vector<1024x1xi32>
    %and3A_258 = arith.constant -65536 : i32
    %and3A_259 = vector.broadcast %and3A_258 : i32 to vector<1024x64xi32>
    %and3A_260 = arith.andi %select_n3A_251, %and3A_259 : vector<1024x64xi32>
    %shift_left3A_261 = arith.constant 16 : i32
    %shift_left3A_262 = vector.broadcast %shift_left3A_261 : i32 to vector<1024x64xi32>
    %shift_left3A_263 = arith.shli %select_n3A_251, %shift_left3A_262 : vector<1024x64xi32>
    %broadcast_in_dim3A_264 = vector.shape_cast %gt3A_257 : vector<1024x1xi1> to vector<1024x1xi1>
    %broadcast_in_dim3A_265 = vector.broadcast %broadcast_in_dim3A_264 : vector<1024x1xi1> to vector<1024x64xi1>
    %select_n3A_266 = arith.select %broadcast_in_dim3A_265, %and3A_260, %shift_left3A_263 : vector<1024x64xi1>, vector<1024x64xi32>
    %bitcast_convert_type3A_267 = tpu.bitcast %select_n3A_266 : vector<1024x64xi32> -> vector<1024x64xf32>
    %convert_element_type3A_268 = arith.truncf %bitcast_convert_type3A_267 : vector<1024x64xf32> to vector<1024x64xbf16>
    %dot_general3A_269 = arith.constant dense<0.000000e+00> : vector<1024x384xf32>
    %dot_general3A_270 = tpu.matmul %convert_element_type3A_268, %convert_element_type3A_11, %dot_general3A_269 {dimension_numbers = #tpu.dot_dimension_numbers<[1], [0], [0], [1], [0, 0, 1, 1], [], []>, transpose_lhs_hint = false} : vector<1024x64xbf16>, vector<64x384xbf16>, vector<1024x384xf32> -> vector<1024x384xf32>
    %add3A_271 = vector.broadcast %get3A_14 : vector<1x384xf32> to vector<1024x384xf32>
    %add3A_272 = arith.addf %dot_general3A_270, %add3A_271 : vector<1024x384xf32>
    %convert_element_type3A_273 = arith.truncf %add3A_226 : vector<1024x128xf32> to vector<1024x128xbf16>
    %dot_general3A_274 = arith.constant dense<0.000000e+00> : vector<1024x384xf32>
    %dot_general3A_275 = tpu.matmul %convert_element_type3A_273, %convert_element_type3A_7, %dot_general3A_274 {dimension_numbers = #tpu.dot_dimension_numbers<[1], [0], [0], [1], [0, 0, 1, 1], [], []>, transpose_lhs_hint = false} : vector<1024x128xbf16>, vector<128x384xbf16>, vector<1024x384xf32> -> vector<1024x384xf32>
    %slice3A_276 = vector.extract_strided_slice %add3A_272 {offsets = [0, 0], sizes = [1024, 128], strides = [1, 1]} : vector<1024x384xf32> to vector<1024x128xf32>
    %slice3A_277 = vector.extract_strided_slice %dot_general3A_275 {offsets = [0, 0], sizes = [1024, 128], strides = [1, 1]} : vector<1024x384xf32> to vector<1024x128xf32>
    %add3A_278 = arith.addf %slice3A_276, %slice3A_277 : vector<1024x128xf32>
    %logistic3A_279 = arith.negf %add3A_278 : vector<1024x128xf32>
    %logistic3A_280 = math.exp %logistic3A_279 : vector<1024x128xf32>
    %logistic3A_281 = arith.constant 1.000000e+00 : f32
    %logistic3A_282 = vector.broadcast %logistic3A_281 : f32 to vector<1024x128xf32>
    %logistic3A_283 = arith.addf %logistic3A_282, %logistic3A_280 : vector<1024x128xf32>
    %logistic3A_284 = arith.divf %logistic3A_282, %logistic3A_283 : vector<1024x128xf32>
    %slice3A_285 = vector.extract_strided_slice %add3A_272 {offsets = [0, 128], sizes = [1024, 128], strides = [1, 1]} : vector<1024x384xf32> to vector<1024x128xf32>
    %slice3A_286 = vector.extract_strided_slice %dot_general3A_275 {offsets = [0, 128], sizes = [1024, 128], strides = [1, 1]} : vector<1024x384xf32> to vector<1024x128xf32>
    %add3A_287 = arith.addf %slice3A_285, %slice3A_286 : vector<1024x128xf32>
    %logistic3A_288 = arith.negf %add3A_287 : vector<1024x128xf32>
    %logistic3A_289 = math.exp %logistic3A_288 : vector<1024x128xf32>
    %logistic3A_290 = arith.constant 1.000000e+00 : f32
    %logistic3A_291 = vector.broadcast %logistic3A_290 : f32 to vector<1024x128xf32>
    %logistic3A_292 = arith.addf %logistic3A_291, %logistic3A_289 : vector<1024x128xf32>
    %logistic3A_293 = arith.divf %logistic3A_291, %logistic3A_292 : vector<1024x128xf32>
    %slice3A_294 = vector.extract_strided_slice %add3A_272 {offsets = [0, 256], sizes = [1024, 128], strides = [1, 1]} : vector<1024x384xf32> to vector<1024x128xf32>
    %slice3A_295 = vector.extract_strided_slice %dot_general3A_275 {offsets = [0, 256], sizes = [1024, 128], strides = [1, 1]} : vector<1024x384xf32> to vector<1024x128xf32>
    %mul3A_296 = arith.mulf %logistic3A_293, %slice3A_295 : vector<1024x128xf32>
    %add3A_297 = arith.addf %slice3A_294, %mul3A_296 : vector<1024x128xf32>
    %tanh3A_298 = math.tanh %add3A_297 : vector<1024x128xf32>
    %mul3A_299 = arith.mulf %logistic3A_284, %add3A_226 : vector<1024x128xf32>
    %sub3A_300 = arith.constant 1.000000e+00 : f32
    %sub3A_301 = vector.broadcast %sub3A_300 : f32 to vector<1024x128xf32>
    %sub3A_302 = arith.subf %sub3A_301, %logistic3A_284 : vector<1024x128xf32>
    %mul3A_303 = arith.mulf %sub3A_302, %tanh3A_298 : vector<1024x128xf32>
    %add3A_304 = arith.addf %mul3A_299, %mul3A_303 : vector<1024x128xf32>
    %swap3A_305 = arith.constant 0 : index
    %swap3A_306 = arith.constant 3 : index
    %swap3A_307 = arith.constant 0 : index
    %swap3A_308 = vector.load %arg6[%swap3A_305, %swap3A_306, %swap3A_307] : memref<1024x8x128xf32, #tpu.memory_space<vmem>>, vector<1024x1x128xf32>
    %swap3A_309 = vector.shape_cast %swap3A_308 : vector<1024x1x128xf32> to vector<1024x128xf32>
    %swap3A_310 = vector.shape_cast %add3A_304 : vector<1024x128xf32> to vector<1024x1x128xf32>
    tpu.vector_store %arg6[%swap3A_305, %swap3A_306, %swap3A_307], %swap3A_310 {strides = array<i32>} : memref<1024x8x128xf32, #tpu.memory_space<vmem>>, vector<1024x1x128xf32>,
    %get3A_311 = arith.constant 4 : index
    %get3A_312 = arith.constant 0 : index
    %get3A_313 = arith.constant 0 : index
    %get3A_314 = vector.load %arg1[%get3A_311, %get3A_312, %get3A_313] : memref<8x1024x128xf32, #tpu.memory_space<vmem>>, vector<1x1024x128xf32>
    %get3A_315 = vector.shape_cast %get3A_314 : vector<1x1024x128xf32> to vector<1024x128xf32>
    %get3A_316 = arith.constant 4 : index
    %get3A_317 = arith.constant 0 : index
    %get3A_318 = vector.load %arg2[%get3A_316, %get3A_317] : memref<8x1024xi32, #tpu.memory_space<vmem>>, vector<1x1024xi32>
    %get3A_319 = vector.shape_cast %get3A_318 : vector<1x1024xi32> to vector<1024xi32>
    %reshape3A_320 = vector.shape_cast %get3A_319 : vector<1024xi32> to vector<1024x1xi32>
    %bitcast_convert_type3A_321 = tpu.bitcast %get3A_315 : vector<1024x128xf32> -> vector<1024x128xi32>
    %ge3A_322 = arith.constant 2 : i32
    %ge3A_323 = vector.broadcast %ge3A_322 : i32 to vector<1024x1xi32>
    %ge3A_324 = arith.cmpi sge, %reshape3A_320, %ge3A_323 : vector<1024x1xi32>
    %slice3A_325 = vector.extract_strided_slice %bitcast_convert_type3A_321 {offsets = [0, 64], sizes = [1024, 64], strides = [1, 1]} : vector<1024x128xi32> to vector<1024x64xi32>
    %slice3A_326 = vector.extract_strided_slice %bitcast_convert_type3A_321 {offsets = [0, 0], sizes = [1024, 64], strides = [1, 1]} : vector<1024x128xi32> to vector<1024x64xi32>
    %broadcast_in_dim3A_327 = vector.shape_cast %ge3A_324 : vector<1024x1xi1> to vector<1024x1xi1>
    %broadcast_in_dim3A_328 = vector.broadcast %broadcast_in_dim3A_327 : vector<1024x1xi1> to vector<1024x64xi1>
    %select_n3A_329 = arith.select %broadcast_in_dim3A_328, %slice3A_325, %slice3A_326 : vector<1024x64xi1>, vector<1024x64xi32>
    %and3A_330 = arith.constant 1 : i32
    %and3A_331 = vector.broadcast %and3A_330 : i32 to vector<1024x1xi32>
    %and3A_332 = arith.andi %reshape3A_320, %and3A_331 : vector<1024x1xi32>
    %gt3A_333 = arith.constant 0 : i32
    %gt3A_334 = vector.broadcast %gt3A_333 : i32 to vector<1024x1xi32>
    %gt3A_335 = arith.cmpi sgt, %and3A_332, %gt3A_334 : vector<1024x1xi32>
    %and3A_336 = arith.constant -65536 : i32
    %and3A_337 = vector.broadcast %and3A_336 : i32 to vector<1024x64xi32>
    %and3A_338 = arith.andi %select_n3A_329, %and3A_337 : vector<1024x64xi32>
    %shift_left3A_339 = arith.constant 16 : i32
    %shift_left3A_340 = vector.broadcast %shift_left3A_339 : i32 to vector<1024x64xi32>
    %shift_left3A_341 = arith.shli %select_n3A_329, %shift_left3A_340 : vector<1024x64xi32>
    %broadcast_in_dim3A_342 = vector.shape_cast %gt3A_335 : vector<1024x1xi1> to vector<1024x1xi1>
    %broadcast_in_dim3A_343 = vector.broadcast %broadcast_in_dim3A_342 : vector<1024x1xi1> to vector<1024x64xi1>
    %select_n3A_344 = arith.select %broadcast_in_dim3A_343, %and3A_338, %shift_left3A_341 : vector<1024x64xi1>, vector<1024x64xi32>
    %bitcast_convert_type3A_345 = tpu.bitcast %select_n3A_344 : vector<1024x64xi32> -> vector<1024x64xf32>
    %convert_element_type3A_346 = arith.truncf %bitcast_convert_type3A_345 : vector<1024x64xf32> to vector<1024x64xbf16>
    %dot_general3A_347 = arith.constant dense<0.000000e+00> : vector<1024x384xf32>
    %dot_general3A_348 = tpu.matmul %convert_element_type3A_346, %convert_element_type3A_11, %dot_general3A_347 {dimension_numbers = #tpu.dot_dimension_numbers<[1], [0], [0], [1], [0, 0, 1, 1], [], []>, transpose_lhs_hint = false} : vector<1024x64xbf16>, vector<64x384xbf16>, vector<1024x384xf32> -> vector<1024x384xf32>
    %add3A_349 = vector.broadcast %get3A_14 : vector<1x384xf32> to vector<1024x384xf32>
    %add3A_350 = arith.addf %dot_general3A_348, %add3A_349 : vector<1024x384xf32>
    %convert_element_type3A_351 = arith.truncf %add3A_304 : vector<1024x128xf32> to vector<1024x128xbf16>
    %dot_general3A_352 = arith.constant dense<0.000000e+00> : vector<1024x384xf32>
    %dot_general3A_353 = tpu.matmul %convert_element_type3A_351, %convert_element_type3A_7, %dot_general3A_352 {dimension_numbers = #tpu.dot_dimension_numbers<[1], [0], [0], [1], [0, 0, 1, 1], [], []>, transpose_lhs_hint = false} : vector<1024x128xbf16>, vector<128x384xbf16>, vector<1024x384xf32> -> vector<1024x384xf32>
    %slice3A_354 = vector.extract_strided_slice %add3A_350 {offsets = [0, 0], sizes = [1024, 128], strides = [1, 1]} : vector<1024x384xf32> to vector<1024x128xf32>
    %slice3A_355 = vector.extract_strided_slice %dot_general3A_353 {offsets = [0, 0], sizes = [1024, 128], strides = [1, 1]} : vector<1024x384xf32> to vector<1024x128xf32>
    %add3A_356 = arith.addf %slice3A_354, %slice3A_355 : vector<1024x128xf32>
    %logistic3A_357 = arith.negf %add3A_356 : vector<1024x128xf32>
    %logistic3A_358 = math.exp %logistic3A_357 : vector<1024x128xf32>
    %logistic3A_359 = arith.constant 1.000000e+00 : f32
    %logistic3A_360 = vector.broadcast %logistic3A_359 : f32 to vector<1024x128xf32>
    %logistic3A_361 = arith.addf %logistic3A_360, %logistic3A_358 : vector<1024x128xf32>
    %logistic3A_362 = arith.divf %logistic3A_360, %logistic3A_361 : vector<1024x128xf32>
    %slice3A_363 = vector.extract_strided_slice %add3A_350 {offsets = [0, 128], sizes = [1024, 128], strides = [1, 1]} : vector<1024x384xf32> to vector<1024x128xf32>
    %slice3A_364 = vector.extract_strided_slice %dot_general3A_353 {offsets = [0, 128], sizes = [1024, 128], strides = [1, 1]} : vector<1024x384xf32> to vector<1024x128xf32>
    %add3A_365 = arith.addf %slice3A_363, %slice3A_364 : vector<1024x128xf32>
    %logistic3A_366 = arith.negf %add3A_365 : vector<1024x128xf32>
    %logistic3A_367 = math.exp %logistic3A_366 : vector<1024x128xf32>
    %logistic3A_368 = arith.constant 1.000000e+00 : f32
    %logistic3A_369 = vector.broadcast %logistic3A_368 : f32 to vector<1024x128xf32>
    %logistic3A_370 = arith.addf %logistic3A_369, %logistic3A_367 : vector<1024x128xf32>
    %logistic3A_371 = arith.divf %logistic3A_369, %logistic3A_370 : vector<1024x128xf32>
    %slice3A_372 = vector.extract_strided_slice %add3A_350 {offsets = [0, 256], sizes = [1024, 128], strides = [1, 1]} : vector<1024x384xf32> to vector<1024x128xf32>
    %slice3A_373 = vector.extract_strided_slice %dot_general3A_353 {offsets = [0, 256], sizes = [1024, 128], strides = [1, 1]} : vector<1024x384xf32> to vector<1024x128xf32>
    %mul3A_374 = arith.mulf %logistic3A_371, %slice3A_373 : vector<1024x128xf32>
    %add3A_375 = arith.addf %slice3A_372, %mul3A_374 : vector<1024x128xf32>
    %tanh3A_376 = math.tanh %add3A_375 : vector<1024x128xf32>
    %mul3A_377 = arith.mulf %logistic3A_362, %add3A_304 : vector<1024x128xf32>
    %sub3A_378 = arith.constant 1.000000e+00 : f32
    %sub3A_379 = vector.broadcast %sub3A_378 : f32 to vector<1024x128xf32>
    %sub3A_380 = arith.subf %sub3A_379, %logistic3A_362 : vector<1024x128xf32>
    %mul3A_381 = arith.mulf %sub3A_380, %tanh3A_376 : vector<1024x128xf32>
    %add3A_382 = arith.addf %mul3A_377, %mul3A_381 : vector<1024x128xf32>
    %swap3A_383 = arith.constant 0 : index
    %swap3A_384 = arith.constant 4 : index
    %swap3A_385 = arith.constant 0 : index
    %swap3A_386 = vector.load %arg6[%swap3A_383, %swap3A_384, %swap3A_385] : memref<1024x8x128xf32, #tpu.memory_space<vmem>>, vector<1024x1x128xf32>
    %swap3A_387 = vector.shape_cast %swap3A_386 : vector<1024x1x128xf32> to vector<1024x128xf32>
    %swap3A_388 = vector.shape_cast %add3A_382 : vector<1024x128xf32> to vector<1024x1x128xf32>
    tpu.vector_store %arg6[%swap3A_383, %swap3A_384, %swap3A_385], %swap3A_388 {strides = array<i32>} : memref<1024x8x128xf32, #tpu.memory_space<vmem>>, vector<1024x1x128xf32>,
    %get3A_389 = arith.constant 5 : index
    %get3A_390 = arith.constant 0 : index
    %get3A_391 = arith.constant 0 : index
    %get3A_392 = vector.load %arg1[%get3A_389, %get3A_390, %get3A_391] : memref<8x1024x128xf32, #tpu.memory_space<vmem>>, vector<1x1024x128xf32>
    %get3A_393 = vector.shape_cast %get3A_392 : vector<1x1024x128xf32> to vector<1024x128xf32>
    %get3A_394 = arith.constant 5 : index
    %get3A_395 = arith.constant 0 : index
    %get3A_396 = vector.load %arg2[%get3A_394, %get3A_395] : memref<8x1024xi32, #tpu.memory_space<vmem>>, vector<1x1024xi32>
    %get3A_397 = vector.shape_cast %get3A_396 : vector<1x1024xi32> to vector<1024xi32>
    %reshape3A_398 = vector.shape_cast %get3A_397 : vector<1024xi32> to vector<1024x1xi32>
    %bitcast_convert_type3A_399 = tpu.bitcast %get3A_393 : vector<1024x128xf32> -> vector<1024x128xi32>
    %ge3A_400 = arith.constant 2 : i32
    %ge3A_401 = vector.broadcast %ge3A_400 : i32 to vector<1024x1xi32>
    %ge3A_402 = arith.cmpi sge, %reshape3A_398, %ge3A_401 : vector<1024x1xi32>
    %slice3A_403 = vector.extract_strided_slice %bitcast_convert_type3A_399 {offsets = [0, 64], sizes = [1024, 64], strides = [1, 1]} : vector<1024x128xi32> to vector<1024x64xi32>
    %slice3A_404 = vector.extract_strided_slice %bitcast_convert_type3A_399 {offsets = [0, 0], sizes = [1024, 64], strides = [1, 1]} : vector<1024x128xi32> to vector<1024x64xi32>
    %broadcast_in_dim3A_405 = vector.shape_cast %ge3A_402 : vector<1024x1xi1> to vector<1024x1xi1>
    %broadcast_in_dim3A_406 = vector.broadcast %broadcast_in_dim3A_405 : vector<1024x1xi1> to vector<1024x64xi1>
    %select_n3A_407 = arith.select %broadcast_in_dim3A_406, %slice3A_403, %slice3A_404 : vector<1024x64xi1>, vector<1024x64xi32>
    %and3A_408 = arith.constant 1 : i32
    %and3A_409 = vector.broadcast %and3A_408 : i32 to vector<1024x1xi32>
    %and3A_410 = arith.andi %reshape3A_398, %and3A_409 : vector<1024x1xi32>
    %gt3A_411 = arith.constant 0 : i32
    %gt3A_412 = vector.broadcast %gt3A_411 : i32 to vector<1024x1xi32>
    %gt3A_413 = arith.cmpi sgt, %and3A_410, %gt3A_412 : vector<1024x1xi32>
    %and3A_414 = arith.constant -65536 : i32
    %and3A_415 = vector.broadcast %and3A_414 : i32 to vector<1024x64xi32>
    %and3A_416 = arith.andi %select_n3A_407, %and3A_415 : vector<1024x64xi32>
    %shift_left3A_417 = arith.constant 16 : i32
    %shift_left3A_418 = vector.broadcast %shift_left3A_417 : i32 to vector<1024x64xi32>
    %shift_left3A_419 = arith.shli %select_n3A_407, %shift_left3A_418 : vector<1024x64xi32>
    %broadcast_in_dim3A_420 = vector.shape_cast %gt3A_413 : vector<1024x1xi1> to vector<1024x1xi1>
    %broadcast_in_dim3A_421 = vector.broadcast %broadcast_in_dim3A_420 : vector<1024x1xi1> to vector<1024x64xi1>
    %select_n3A_422 = arith.select %broadcast_in_dim3A_421, %and3A_416, %shift_left3A_419 : vector<1024x64xi1>, vector<1024x64xi32>
    %bitcast_convert_type3A_423 = tpu.bitcast %select_n3A_422 : vector<1024x64xi32> -> vector<1024x64xf32>
    %convert_element_type3A_424 = arith.truncf %bitcast_convert_type3A_423 : vector<1024x64xf32> to vector<1024x64xbf16>
    %dot_general3A_425 = arith.constant dense<0.000000e+00> : vector<1024x384xf32>
    %dot_general3A_426 = tpu.matmul %convert_element_type3A_424, %convert_element_type3A_11, %dot_general3A_425 {dimension_numbers = #tpu.dot_dimension_numbers<[1], [0], [0], [1], [0, 0, 1, 1], [], []>, transpose_lhs_hint = false} : vector<1024x64xbf16>, vector<64x384xbf16>, vector<1024x384xf32> -> vector<1024x384xf32>
    %add3A_427 = vector.broadcast %get3A_14 : vector<1x384xf32> to vector<1024x384xf32>
    %add3A_428 = arith.addf %dot_general3A_426, %add3A_427 : vector<1024x384xf32>
    %convert_element_type3A_429 = arith.truncf %add3A_382 : vector<1024x128xf32> to vector<1024x128xbf16>
    %dot_general3A_430 = arith.constant dense<0.000000e+00> : vector<1024x384xf32>
    %dot_general3A_431 = tpu.matmul %convert_element_type3A_429, %convert_element_type3A_7, %dot_general3A_430 {dimension_numbers = #tpu.dot_dimension_numbers<[1], [0], [0], [1], [0, 0, 1, 1], [], []>, transpose_lhs_hint = false} : vector<1024x128xbf16>, vector<128x384xbf16>, vector<1024x384xf32> -> vector<1024x384xf32>
    %slice3A_432 = vector.extract_strided_slice %add3A_428 {offsets = [0, 0], sizes = [1024, 128], strides = [1, 1]} : vector<1024x384xf32> to vector<1024x128xf32>
    %slice3A_433 = vector.extract_strided_slice %dot_general3A_431 {offsets = [0, 0], sizes = [1024, 128], strides = [1, 1]} : vector<1024x384xf32> to vector<1024x128xf32>
    %add3A_434 = arith.addf %slice3A_432, %slice3A_433 : vector<1024x128xf32>
    %logistic3A_435 = arith.negf %add3A_434 : vector<1024x128xf32>
    %logistic3A_436 = math.exp %logistic3A_435 : vector<1024x128xf32>
    %logistic3A_437 = arith.constant 1.000000e+00 : f32
    %logistic3A_438 = vector.broadcast %logistic3A_437 : f32 to vector<1024x128xf32>
    %logistic3A_439 = arith.addf %logistic3A_438, %logistic3A_436 : vector<1024x128xf32>
    %logistic3A_440 = arith.divf %logistic3A_438, %logistic3A_439 : vector<1024x128xf32>
    %slice3A_441 = vector.extract_strided_slice %add3A_428 {offsets = [0, 128], sizes = [1024, 128], strides = [1, 1]} : vector<1024x384xf32> to vector<1024x128xf32>
    %slice3A_442 = vector.extract_strided_slice %dot_general3A_431 {offsets = [0, 128], sizes = [1024, 128], strides = [1, 1]} : vector<1024x384xf32> to vector<1024x128xf32>
    %add3A_443 = arith.addf %slice3A_441, %slice3A_442 : vector<1024x128xf32>
    %logistic3A_444 = arith.negf %add3A_443 : vector<1024x128xf32>
    %logistic3A_445 = math.exp %logistic3A_444 : vector<1024x128xf32>
    %logistic3A_446 = arith.constant 1.000000e+00 : f32
    %logistic3A_447 = vector.broadcast %logistic3A_446 : f32 to vector<1024x128xf32>
    %logistic3A_448 = arith.addf %logistic3A_447, %logistic3A_445 : vector<1024x128xf32>
    %logistic3A_449 = arith.divf %logistic3A_447, %logistic3A_448 : vector<1024x128xf32>
    %slice3A_450 = vector.extract_strided_slice %add3A_428 {offsets = [0, 256], sizes = [1024, 128], strides = [1, 1]} : vector<1024x384xf32> to vector<1024x128xf32>
    %slice3A_451 = vector.extract_strided_slice %dot_general3A_431 {offsets = [0, 256], sizes = [1024, 128], strides = [1, 1]} : vector<1024x384xf32> to vector<1024x128xf32>
    %mul3A_452 = arith.mulf %logistic3A_449, %slice3A_451 : vector<1024x128xf32>
    %add3A_453 = arith.addf %slice3A_450, %mul3A_452 : vector<1024x128xf32>
    %tanh3A_454 = math.tanh %add3A_453 : vector<1024x128xf32>
    %mul3A_455 = arith.mulf %logistic3A_440, %add3A_382 : vector<1024x128xf32>
    %sub3A_456 = arith.constant 1.000000e+00 : f32
    %sub3A_457 = vector.broadcast %sub3A_456 : f32 to vector<1024x128xf32>
    %sub3A_458 = arith.subf %sub3A_457, %logistic3A_440 : vector<1024x128xf32>
    %mul3A_459 = arith.mulf %sub3A_458, %tanh3A_454 : vector<1024x128xf32>
    %add3A_460 = arith.addf %mul3A_455, %mul3A_459 : vector<1024x128xf32>
    %swap3A_461 = arith.constant 0 : index
    %swap3A_462 = arith.constant 5 : index
    %swap3A_463 = arith.constant 0 : index
    %swap3A_464 = vector.load %arg6[%swap3A_461, %swap3A_462, %swap3A_463] : memref<1024x8x128xf32, #tpu.memory_space<vmem>>, vector<1024x1x128xf32>
    %swap3A_465 = vector.shape_cast %swap3A_464 : vector<1024x1x128xf32> to vector<1024x128xf32>
    %swap3A_466 = vector.shape_cast %add3A_460 : vector<1024x128xf32> to vector<1024x1x128xf32>
    tpu.vector_store %arg6[%swap3A_461, %swap3A_462, %swap3A_463], %swap3A_466 {strides = array<i32>} : memref<1024x8x128xf32, #tpu.memory_space<vmem>>, vector<1024x1x128xf32>,
    %get3A_467 = arith.constant 6 : index
    %get3A_468 = arith.constant 0 : index
    %get3A_469 = arith.constant 0 : index
    %get3A_470 = vector.load %arg1[%get3A_467, %get3A_468, %get3A_469] : memref<8x1024x128xf32, #tpu.memory_space<vmem>>, vector<1x1024x128xf32>
    %get3A_471 = vector.shape_cast %get3A_470 : vector<1x1024x128xf32> to vector<1024x128xf32>
    %get3A_472 = arith.constant 6 : index
    %get3A_473 = arith.constant 0 : index
    %get3A_474 = vector.load %arg2[%get3A_472, %get3A_473] : memref<8x1024xi32, #tpu.memory_space<vmem>>, vector<1x1024xi32>
    %get3A_475 = vector.shape_cast %get3A_474 : vector<1x1024xi32> to vector<1024xi32>
    %reshape3A_476 = vector.shape_cast %get3A_475 : vector<1024xi32> to vector<1024x1xi32>
    %bitcast_convert_type3A_477 = tpu.bitcast %get3A_471 : vector<1024x128xf32> -> vector<1024x128xi32>
    %ge3A_478 = arith.constant 2 : i32
    %ge3A_479 = vector.broadcast %ge3A_478 : i32 to vector<1024x1xi32>
    %ge3A_480 = arith.cmpi sge, %reshape3A_476, %ge3A_479 : vector<1024x1xi32>
    %slice3A_481 = vector.extract_strided_slice %bitcast_convert_type3A_477 {offsets = [0, 64], sizes = [1024, 64], strides = [1, 1]} : vector<1024x128xi32> to vector<1024x64xi32>
    %slice3A_482 = vector.extract_strided_slice %bitcast_convert_type3A_477 {offsets = [0, 0], sizes = [1024, 64], strides = [1, 1]} : vector<1024x128xi32> to vector<1024x64xi32>
    %broadcast_in_dim3A_483 = vector.shape_cast %ge3A_480 : vector<1024x1xi1> to vector<1024x1xi1>
    %broadcast_in_dim3A_484 = vector.broadcast %broadcast_in_dim3A_483 : vector<1024x1xi1> to vector<1024x64xi1>
    %select_n3A_485 = arith.select %broadcast_in_dim3A_484, %slice3A_481, %slice3A_482 : vector<1024x64xi1>, vector<1024x64xi32>
    %and3A_486 = arith.constant 1 : i32
    %and3A_487 = vector.broadcast %and3A_486 : i32 to vector<1024x1xi32>
    %and3A_488 = arith.andi %reshape3A_476, %and3A_487 : vector<1024x1xi32>
    %gt3A_489 = arith.constant 0 : i32
    %gt3A_490 = vector.broadcast %gt3A_489 : i32 to vector<1024x1xi32>
    %gt3A_491 = arith.cmpi sgt, %and3A_488, %gt3A_490 : vector<1024x1xi32>
    %and3A_492 = arith.constant -65536 : i32
    %and3A_493 = vector.broadcast %and3A_492 : i32 to vector<1024x64xi32>
    %and3A_494 = arith.andi %select_n3A_485, %and3A_493 : vector<1024x64xi32>
    %shift_left3A_495 = arith.constant 16 : i32
    %shift_left3A_496 = vector.broadcast %shift_left3A_495 : i32 to vector<1024x64xi32>
    %shift_left3A_497 = arith.shli %select_n3A_485, %shift_left3A_496 : vector<1024x64xi32>
    %broadcast_in_dim3A_498 = vector.shape_cast %gt3A_491 : vector<1024x1xi1> to vector<1024x1xi1>
    %broadcast_in_dim3A_499 = vector.broadcast %broadcast_in_dim3A_498 : vector<1024x1xi1> to vector<1024x64xi1>
    %select_n3A_500 = arith.select %broadcast_in_dim3A_499, %and3A_494, %shift_left3A_497 : vector<1024x64xi1>, vector<1024x64xi32>
    %bitcast_convert_type3A_501 = tpu.bitcast %select_n3A_500 : vector<1024x64xi32> -> vector<1024x64xf32>
    %convert_element_type3A_502 = arith.truncf %bitcast_convert_type3A_501 : vector<1024x64xf32> to vector<1024x64xbf16>
    %dot_general3A_503 = arith.constant dense<0.000000e+00> : vector<1024x384xf32>
    %dot_general3A_504 = tpu.matmul %convert_element_type3A_502, %convert_element_type3A_11, %dot_general3A_503 {dimension_numbers = #tpu.dot_dimension_numbers<[1], [0], [0], [1], [0, 0, 1, 1], [], []>, transpose_lhs_hint = false} : vector<1024x64xbf16>, vector<64x384xbf16>, vector<1024x384xf32> -> vector<1024x384xf32>
    %add3A_505 = vector.broadcast %get3A_14 : vector<1x384xf32> to vector<1024x384xf32>
    %add3A_506 = arith.addf %dot_general3A_504, %add3A_505 : vector<1024x384xf32>
    %convert_element_type3A_507 = arith.truncf %add3A_460 : vector<1024x128xf32> to vector<1024x128xbf16>
    %dot_general3A_508 = arith.constant dense<0.000000e+00> : vector<1024x384xf32>
    %dot_general3A_509 = tpu.matmul %convert_element_type3A_507, %convert_element_type3A_7, %dot_general3A_508 {dimension_numbers = #tpu.dot_dimension_numbers<[1], [0], [0], [1], [0, 0, 1, 1], [], []>, transpose_lhs_hint = false} : vector<1024x128xbf16>, vector<128x384xbf16>, vector<1024x384xf32> -> vector<1024x384xf32>
    %slice3A_510 = vector.extract_strided_slice %add3A_506 {offsets = [0, 0], sizes = [1024, 128], strides = [1, 1]} : vector<1024x384xf32> to vector<1024x128xf32>
    %slice3A_511 = vector.extract_strided_slice %dot_general3A_509 {offsets = [0, 0], sizes = [1024, 128], strides = [1, 1]} : vector<1024x384xf32> to vector<1024x128xf32>
    %add3A_512 = arith.addf %slice3A_510, %slice3A_511 : vector<1024x128xf32>
    %logistic3A_513 = arith.negf %add3A_512 : vector<1024x128xf32>
    %logistic3A_514 = math.exp %logistic3A_513 : vector<1024x128xf32>
    %logistic3A_515 = arith.constant 1.000000e+00 : f32
    %logistic3A_516 = vector.broadcast %logistic3A_515 : f32 to vector<1024x128xf32>
    %logistic3A_517 = arith.addf %logistic3A_516, %logistic3A_514 : vector<1024x128xf32>
    %logistic3A_518 = arith.divf %logistic3A_516, %logistic3A_517 : vector<1024x128xf32>
    %slice3A_519 = vector.extract_strided_slice %add3A_506 {offsets = [0, 128], sizes = [1024, 128], strides = [1, 1]} : vector<1024x384xf32> to vector<1024x128xf32>
    %slice3A_520 = vector.extract_strided_slice %dot_general3A_509 {offsets = [0, 128], sizes = [1024, 128], strides = [1, 1]} : vector<1024x384xf32> to vector<1024x128xf32>
    %add3A_521 = arith.addf %slice3A_519, %slice3A_520 : vector<1024x128xf32>
    %logistic3A_522 = arith.negf %add3A_521 : vector<1024x128xf32>
    %logistic3A_523 = math.exp %logistic3A_522 : vector<1024x128xf32>
    %logistic3A_524 = arith.constant 1.000000e+00 : f32
    %logistic3A_525 = vector.broadcast %logistic3A_524 : f32 to vector<1024x128xf32>
    %logistic3A_526 = arith.addf %logistic3A_525, %logistic3A_523 : vector<1024x128xf32>
    %logistic3A_527 = arith.divf %logistic3A_525, %logistic3A_526 : vector<1024x128xf32>
    %slice3A_528 = vector.extract_strided_slice %add3A_506 {offsets = [0, 256], sizes = [1024, 128], strides = [1, 1]} : vector<1024x384xf32> to vector<1024x128xf32>
    %slice3A_529 = vector.extract_strided_slice %dot_general3A_509 {offsets = [0, 256], sizes = [1024, 128], strides = [1, 1]} : vector<1024x384xf32> to vector<1024x128xf32>
    %mul3A_530 = arith.mulf %logistic3A_527, %slice3A_529 : vector<1024x128xf32>
    %add3A_531 = arith.addf %slice3A_528, %mul3A_530 : vector<1024x128xf32>
    %tanh3A_532 = math.tanh %add3A_531 : vector<1024x128xf32>
    %mul3A_533 = arith.mulf %logistic3A_518, %add3A_460 : vector<1024x128xf32>
    %sub3A_534 = arith.constant 1.000000e+00 : f32
    %sub3A_535 = vector.broadcast %sub3A_534 : f32 to vector<1024x128xf32>
    %sub3A_536 = arith.subf %sub3A_535, %logistic3A_518 : vector<1024x128xf32>
    %mul3A_537 = arith.mulf %sub3A_536, %tanh3A_532 : vector<1024x128xf32>
    %add3A_538 = arith.addf %mul3A_533, %mul3A_537 : vector<1024x128xf32>
    %swap3A_539 = arith.constant 0 : index
    %swap3A_540 = arith.constant 6 : index
    %swap3A_541 = arith.constant 0 : index
    %swap3A_542 = vector.load %arg6[%swap3A_539, %swap3A_540, %swap3A_541] : memref<1024x8x128xf32, #tpu.memory_space<vmem>>, vector<1024x1x128xf32>
    %swap3A_543 = vector.shape_cast %swap3A_542 : vector<1024x1x128xf32> to vector<1024x128xf32>
    %swap3A_544 = vector.shape_cast %add3A_538 : vector<1024x128xf32> to vector<1024x1x128xf32>
    tpu.vector_store %arg6[%swap3A_539, %swap3A_540, %swap3A_541], %swap3A_544 {strides = array<i32>} : memref<1024x8x128xf32, #tpu.memory_space<vmem>>, vector<1024x1x128xf32>,
    %get3A_545 = arith.constant 7 : index
    %get3A_546 = arith.constant 0 : index
    %get3A_547 = arith.constant 0 : index
    %get3A_548 = vector.load %arg1[%get3A_545, %get3A_546, %get3A_547] : memref<8x1024x128xf32, #tpu.memory_space<vmem>>, vector<1x1024x128xf32>
    %get3A_549 = vector.shape_cast %get3A_548 : vector<1x1024x128xf32> to vector<1024x128xf32>
    %get3A_550 = arith.constant 7 : index
    %get3A_551 = arith.constant 0 : index
    %get3A_552 = vector.load %arg2[%get3A_550, %get3A_551] : memref<8x1024xi32, #tpu.memory_space<vmem>>, vector<1x1024xi32>
    %get3A_553 = vector.shape_cast %get3A_552 : vector<1x1024xi32> to vector<1024xi32>
    %reshape3A_554 = vector.shape_cast %get3A_553 : vector<1024xi32> to vector<1024x1xi32>
    %bitcast_convert_type3A_555 = tpu.bitcast %get3A_549 : vector<1024x128xf32> -> vector<1024x128xi32>
    %ge3A_556 = arith.constant 2 : i32
    %ge3A_557 = vector.broadcast %ge3A_556 : i32 to vector<1024x1xi32>
    %ge3A_558 = arith.cmpi sge, %reshape3A_554, %ge3A_557 : vector<1024x1xi32>
    %slice3A_559 = vector.extract_strided_slice %bitcast_convert_type3A_555 {offsets = [0, 64], sizes = [1024, 64], strides = [1, 1]} : vector<1024x128xi32> to vector<1024x64xi32>
    %slice3A_560 = vector.extract_strided_slice %bitcast_convert_type3A_555 {offsets = [0, 0], sizes = [1024, 64], strides = [1, 1]} : vector<1024x128xi32> to vector<1024x64xi32>
    %broadcast_in_dim3A_561 = vector.shape_cast %ge3A_558 : vector<1024x1xi1> to vector<1024x1xi1>
    %broadcast_in_dim3A_562 = vector.broadcast %broadcast_in_dim3A_561 : vector<1024x1xi1> to vector<1024x64xi1>
    %select_n3A_563 = arith.select %broadcast_in_dim3A_562, %slice3A_559, %slice3A_560 : vector<1024x64xi1>, vector<1024x64xi32>
    %and3A_564 = arith.constant 1 : i32
    %and3A_565 = vector.broadcast %and3A_564 : i32 to vector<1024x1xi32>
    %and3A_566 = arith.andi %reshape3A_554, %and3A_565 : vector<1024x1xi32>
    %gt3A_567 = arith.constant 0 : i32
    %gt3A_568 = vector.broadcast %gt3A_567 : i32 to vector<1024x1xi32>
    %gt3A_569 = arith.cmpi sgt, %and3A_566, %gt3A_568 : vector<1024x1xi32>
    %and3A_570 = arith.constant -65536 : i32
    %and3A_571 = vector.broadcast %and3A_570 : i32 to vector<1024x64xi32>
    %and3A_572 = arith.andi %select_n3A_563, %and3A_571 : vector<1024x64xi32>
    %shift_left3A_573 = arith.constant 16 : i32
    %shift_left3A_574 = vector.broadcast %shift_left3A_573 : i32 to vector<1024x64xi32>
    %shift_left3A_575 = arith.shli %select_n3A_563, %shift_left3A_574 : vector<1024x64xi32>
    %broadcast_in_dim3A_576 = vector.shape_cast %gt3A_569 : vector<1024x1xi1> to vector<1024x1xi1>
    %broadcast_in_dim3A_577 = vector.broadcast %broadcast_in_dim3A_576 : vector<1024x1xi1> to vector<1024x64xi1>
    %select_n3A_578 = arith.select %broadcast_in_dim3A_577, %and3A_572, %shift_left3A_575 : vector<1024x64xi1>, vector<1024x64xi32>
    %bitcast_convert_type3A_579 = tpu.bitcast %select_n3A_578 : vector<1024x64xi32> -> vector<1024x64xf32>
    %convert_element_type3A_580 = arith.truncf %bitcast_convert_type3A_579 : vector<1024x64xf32> to vector<1024x64xbf16>
    %dot_general3A_581 = arith.constant dense<0.000000e+00> : vector<1024x384xf32>
    %dot_general3A_582 = tpu.matmul %convert_element_type3A_580, %convert_element_type3A_11, %dot_general3A_581 {dimension_numbers = #tpu.dot_dimension_numbers<[1], [0], [0], [1], [0, 0, 1, 1], [], []>, transpose_lhs_hint = false} : vector<1024x64xbf16>, vector<64x384xbf16>, vector<1024x384xf32> -> vector<1024x384xf32>
    %add3A_583 = vector.broadcast %get3A_14 : vector<1x384xf32> to vector<1024x384xf32>
    %add3A_584 = arith.addf %dot_general3A_582, %add3A_583 : vector<1024x384xf32>
    %convert_element_type3A_585 = arith.truncf %add3A_538 : vector<1024x128xf32> to vector<1024x128xbf16>
    %dot_general3A_586 = arith.constant dense<0.000000e+00> : vector<1024x384xf32>
    %dot_general3A_587 = tpu.matmul %convert_element_type3A_585, %convert_element_type3A_7, %dot_general3A_586 {dimension_numbers = #tpu.dot_dimension_numbers<[1], [0], [0], [1], [0, 0, 1, 1], [], []>, transpose_lhs_hint = false} : vector<1024x128xbf16>, vector<128x384xbf16>, vector<1024x384xf32> -> vector<1024x384xf32>
    %slice3A_588 = vector.extract_strided_slice %add3A_584 {offsets = [0, 0], sizes = [1024, 128], strides = [1, 1]} : vector<1024x384xf32> to vector<1024x128xf32>
    %slice3A_589 = vector.extract_strided_slice %dot_general3A_587 {offsets = [0, 0], sizes = [1024, 128], strides = [1, 1]} : vector<1024x384xf32> to vector<1024x128xf32>
    %add3A_590 = arith.addf %slice3A_588, %slice3A_589 : vector<1024x128xf32>
    %logistic3A_591 = arith.negf %add3A_590 : vector<1024x128xf32>
    %logistic3A_592 = math.exp %logistic3A_591 : vector<1024x128xf32>
    %logistic3A_593 = arith.constant 1.000000e+00 : f32
    %logistic3A_594 = vector.broadcast %logistic3A_593 : f32 to vector<1024x128xf32>
    %logistic3A_595 = arith.addf %logistic3A_594, %logistic3A_592 : vector<1024x128xf32>
    %logistic3A_596 = arith.divf %logistic3A_594, %logistic3A_595 : vector<1024x128xf32>
    %slice3A_597 = vector.extract_strided_slice %add3A_584 {offsets = [0, 128], sizes = [1024, 128], strides = [1, 1]} : vector<1024x384xf32> to vector<1024x128xf32>
    %slice3A_598 = vector.extract_strided_slice %dot_general3A_587 {offsets = [0, 128], sizes = [1024, 128], strides = [1, 1]} : vector<1024x384xf32> to vector<1024x128xf32>
    %add3A_599 = arith.addf %slice3A_597, %slice3A_598 : vector<1024x128xf32>
    %logistic3A_600 = arith.negf %add3A_599 : vector<1024x128xf32>
    %logistic3A_601 = math.exp %logistic3A_600 : vector<1024x128xf32>
    %logistic3A_602 = arith.constant 1.000000e+00 : f32
    %logistic3A_603 = vector.broadcast %logistic3A_602 : f32 to vector<1024x128xf32>
    %logistic3A_604 = arith.addf %logistic3A_603, %logistic3A_601 : vector<1024x128xf32>
    %logistic3A_605 = arith.divf %logistic3A_603, %logistic3A_604 : vector<1024x128xf32>
    %slice3A_606 = vector.extract_strided_slice %add3A_584 {offsets = [0, 256], sizes = [1024, 128], strides = [1, 1]} : vector<1024x384xf32> to vector<1024x128xf32>
    %slice3A_607 = vector.extract_strided_slice %dot_general3A_587 {offsets = [0, 256], sizes = [1024, 128], strides = [1, 1]} : vector<1024x384xf32> to vector<1024x128xf32>
    %mul3A_608 = arith.mulf %logistic3A_605, %slice3A_607 : vector<1024x128xf32>
    %add3A_609 = arith.addf %slice3A_606, %mul3A_608 : vector<1024x128xf32>
    %tanh3A_610 = math.tanh %add3A_609 : vector<1024x128xf32>
    %mul3A_611 = arith.mulf %logistic3A_596, %add3A_538 : vector<1024x128xf32>
    %sub3A_612 = arith.constant 1.000000e+00 : f32
    %sub3A_613 = vector.broadcast %sub3A_612 : f32 to vector<1024x128xf32>
    %sub3A_614 = arith.subf %sub3A_613, %logistic3A_596 : vector<1024x128xf32>
    %mul3A_615 = arith.mulf %sub3A_614, %tanh3A_610 : vector<1024x128xf32>
    %add3A_616 = arith.addf %mul3A_611, %mul3A_615 : vector<1024x128xf32>
    %swap3A_617 = arith.constant 0 : index
    %swap3A_618 = arith.constant 7 : index
    %swap3A_619 = arith.constant 0 : index
    %swap3A_620 = vector.load %arg6[%swap3A_617, %swap3A_618, %swap3A_619] : memref<1024x8x128xf32, #tpu.memory_space<vmem>>, vector<1024x1x128xf32>
    %swap3A_621 = vector.shape_cast %swap3A_620 : vector<1024x1x128xf32> to vector<1024x128xf32>
    %swap3A_622 = vector.shape_cast %add3A_616 : vector<1024x128xf32> to vector<1024x1x128xf32>
    tpu.vector_store %arg6[%swap3A_617, %swap3A_618, %swap3A_619], %swap3A_622 {strides = array<i32>} : memref<1024x8x128xf32, #tpu.memory_space<vmem>>, vector<1024x1x128xf32>,
    %swap3A_623 = arith.constant 0 : index
    %swap3A_624 = arith.constant 0 : index
    %swap3A_625 = vector.load %arg7[%swap3A_623, %swap3A_624] : memref<1024x128xf32, #tpu.memory_space<vmem>>, vector<1024x128xf32>
    tpu.vector_store %arg7[%swap3A_623, %swap3A_624], %add3A_616 {strides = array<i32>} : memref<1024x128xf32, #tpu.memory_space<vmem>>, vector<1024x128xf32>,
    return
  }
  func.func @transform_0(%arg0: i32) -> (i32, i32, i32) {
    %c0_i32 = arith.constant 0 : i32
    %c0_i32_0 = arith.constant 0 : i32
    %c0_i32_1 = arith.constant 0 : i32
    return %arg0, %c0_i32, %c0_i32_0 : i32, i32, i32
  }
  func.func @transform_1(%arg0: i32) -> (i32, i32) {
    %c0_i32 = arith.constant 0 : i32
    %c0_i32_0 = arith.constant 0 : i32
    return %arg0, %c0_i32 : i32, i32
  }
  func.func @transform_2(%arg0: i32) -> (i32, i32) {
    %c0_i32 = arith.constant 0 : i32
    %c0_i32_0 = arith.constant 0 : i32
    %c0_i32_1 = arith.constant 0 : i32
    return %c0_i32, %c0_i32_0 : i32, i32
  }
  func.func @transform_3(%arg0: i32) -> (i32, i32) {
    %c0_i32 = arith.constant 0 : i32
    %c0_i32_0 = arith.constant 0 : i32
    %c0_i32_1 = arith.constant 0 : i32
    return %c0_i32, %c0_i32_0 : i32, i32
  }
  func.func @transform_4(%arg0: i32) -> (i32, i32) {
    %c0_i32 = arith.constant 0 : i32
    %c0_i32_0 = arith.constant 0 : i32
    %c0_i32_1 = arith.constant 0 : i32
    return %c0_i32, %c0_i32_0 : i32, i32
  }
  func.func @transform_5(%arg0: i32) -> (i32, i32, i32) {
    %c0_i32 = arith.constant 0 : i32
    %c0_i32_0 = arith.constant 0 : i32
    %c0_i32_1 = arith.constant 0 : i32
    return %c0_i32, %arg0, %c0_i32_0 : i32, i32, i32
  }
}

</mosaic_0001>

<sc_bundles>
// kernel: kernel.5.cloned.1.call-start
scs
__scs_entry_jumppad:
0x0: {  	(pc) =	sbr.rel $0x88, $3  }
0x1: {  	(tag) =	ssettag $0x0;
	lr =	simm.s32 $0x1  }
0x2: {  	[smem:$0x3F9C] =	sst lr;
	_ =	strace $0xD0000000  }
0x3: {  	_ = 	snop  }
0x4: {  	_ = 	snop  }
0x5: {  	_ = 	snop  }
0x6: {  	_ = 	snop  }
0x7: {  	_ = 	snop  }
__scs_overlays_trampoline_lowered:
0x8: {  	[smem:$0x3FAB] =	sst s0  }
0x9: {  	[smem:$0x3FAC] =	sst s1  }
0xa: {  	[smem:$0x3FAD] =	sst s2  }
0xb: {  	[smem:$0x3FAE] =	sst s3  }
0xc: {  	[smem:$0x3FAF] =	sst s4  }
0xd: {  	[smem:$0x3FB0] =	sst s5  }
0xe: {  	[smem:$0x3FB1] =	sst s6  }
0xf: {  	[smem:$0x3FB2] =	sst s7  }
0x10: {  	[smem:$0x3FB3] =	sst s8  }
0x11: {  	[smem:$0x3FB4] =	sst s9;
	s0 =	simm.s32 @!p0 $0x0  }
0x12: {  	s1 =	sld [smem:$0x3F9A];
	s0 =	simm.s32 @p0 $0x1  }
0x13: {  	[smem:$0x3FB5] =	sst s0;
	s0 =	simm.s32 @!p1 $0x0  }
0x14: {  	s2 =	sld [smem:$0x3F99];
	s0 =	simm.s32 @p1 $0x1  }
0x15: {  	[smem:$0x3FB6] =	sst s0;
	s0 =	simm.s32 @!p2 $0x0  }
0x16: {  	s3 =	sld [smem:$0x3FDB];
	s0 =	simm.s32 @p2 $0x1  }
0x17: {  	s4 =	simm.s32 $0x1BF5;
	[smem:$0x3FB8] =	sst s0  }
0x18: {  	s0 =	sld [smem:$0x3F9B];
	_ =	swait.ge [sflag:s4], $0x0  }
0x19: {  	s7 =	sld [smem:$0x3F9C]  }
0x1a: {  	s8 =	sadd.s32 $0xFFFFE003, lr  }
0x1b: {  	s9 =	sadd.s32 $0xFFFFFEF7, lr;
	s5 =	simm.s32 $0xFFFFFFFF;
	p2 =	slt.u32 s8, $0xFFFFF086  }
0x1c: {  	p1 =	slt.u32 s9, $0xF7A;
	s5 =	simm.s32 @!p2 $0x0  }
0x1d: {  	s5 =	simm.s32 @p1 $0x1;
	p0 =	seq.s32 s7, s2  }
0x1e: {  	s7 =	smul.u32 @!p0 $0xF7A, s2;
	p2 =	seq.s32 @!p0 s5, $0x0  }
0x1f: {  	s9 =	smul.u32 $0xF7A, s1;
	s8 =	simm.s32 @!p0 $0x1BF5;
	p2 =	por !p2, p0  }
0x20: {  	[sflag:s8] =	ssyncset.s32 @!p0 $0xFFFFF086;
	s6 =	sadd.s32 @!p0 s3, s7;
	s7 =	simm.s32 @!p0 $0x108  }
0x21: {  	s3 =	sadd.s32 s3, s9;
	s6 =	sadd.s32 @!p0 $0x88, s6;
	s7 =	simm.s32 @p2 $0x1082  }
0x22: {  	[simem:s7], [sflag:s8] =	dma.local @!p0 [hbm:s6], $0xF7A  }
0x23: {  	s9 =	sor.u32 $0xD0000000, s2;
	s6 =	simm.s32 $0x108;
	_ =	swait.ge @!p0 [sflag:s8], $0x0  }
0x24: {  	s3 =	sadd.s32 $0x88, s3;
	s6 =	simm.s32 @!p1 $0x1082;
	[sflag:s4] =	ssyncset.s32 $0xFFFFF086  }
0x25: {  	[simem:s6], [sflag:s4] =	dma.local [hbm:s3], $0xF7A  }
0x26: {  	[smem:$0x3F9C] =	sst s1;
	(tag) =	ssettag s2;
	_ =	strace s9  }
0x27: {  	s1 =	sld [smem:$0x3FAC]  }
0x28: {  	s2 =	sld [smem:$0x3FAD]  }
0x29: {  	s4 =	sld [smem:$0x3FAF]  }
0x2a: {  	p0 =	seq.s32 s5, $0x0;
	s5 =	sld [smem:$0x3FB0]  }
0x2b: {  	s6 =	sld [smem:$0x3FB1]  }
0x2c: {  	s7 =	sld [smem:$0x3FB2]  }
0x2d: {  	s3 =	simm.s32 $0x108;
	s8 =	sld [smem:$0x3FB3]  }
0x2e: {  	s3 =	simm.s32 @!p0 $0x1082;
	s9 =	sld [smem:$0x3FB4]  }
0x2f: {  	lr =	sadd.s32 s0, s3;
	s0 =	sld [smem:$0x3FAB]  }
0x30: {  	s3 =	sld [smem:$0x3FAE]  }
0x31: {  	[smem:$0x3FB7] =	sst s10  }
0x32: {  	s10 =	sld [smem:$0x3FB5];
	_ =	sdelay $0x3  }
0x33: {  	p0 =	seq.s32 s10, $0x1;
	s10 =	sld [smem:$0x3FB7];
	_ =	sdelay $0x3  }
0x34: {  	[smem:$0x3FB7] =	sst s10  }
0x35: {  	s10 =	sld [smem:$0x3FB6];
	_ =	sdelay $0x3  }
0x36: {  	p1 =	seq.s32 s10, $0x1;
	s10 =	sld [smem:$0x3FB7];
	_ =	sdelay $0x3  }
0x37: {  	[smem:$0x3FB7] =	sst s10  }
0x38: {  	s10 =	sld [smem:$0x3FB8]  }
0x39: {  	_ = 	snop;
	(pc) =	sbr.ind lr, $3  }
0x3a: {  	_ = 	snop  }
0x3b: {  	_ = 	snop  }
0x3c: {  	p2 =	seq.s32 s10, $0x1;
	s10 =	sld [smem:$0x3FB7]  }
0x3d: {  	_ =	shalt  }
0x3e: {  	_ =	shalt  }
0x3f: {  	_ =	shalt  }
0x40: {  	_ =	shalt  }
0x41: {  	_ =	shalt  }
0x42: {  	_ =	shalt  }
0x43: {  	_ =	shalt  }
0x44: {  	_ =	shalt  }
0x45: {  	_ =	shalt  }
0x46: {  	_ =	shalt  }
0x47: {  	_ =	shalt  }
0x48: {  	_ =	shalt  }
0x49: {  	_ =	shalt  }
0x4a: {  	_ =	shalt  }
0x4b: {  	_ =	shalt  }
0x4c: {  	_ =	shalt  }
0x4d: {  	_ =	shalt  }
0x4e: {  	_ =	shalt  }
0x4f: {  	_ =	shalt  }
0x50: {  	_ =	shalt  }
0x51: {  	_ =	shalt  }
0x52: {  	_ =	shalt  }
0x53: {  	_ =	shalt  }
0x54: {  	_ =	shalt  }
0x55: {  	_ =	shalt  }
0x56: {  	_ =	shalt  }
0x57: {  	_ =	shalt  }
0x58: {  	_ =	shalt  }
0x59: {  	_ =	shalt  }
0x5a: {  	_ =	shalt  }
0x5b: {  	_ =	shalt  }
0x5c: {  	_ =	shalt  }
0x5d: {  	_ =	shalt  }
0x5e: {  	_ =	shalt  }
0x5f: {  	_ =	shalt  }
0x60: {  	_ =	shalt  }
0x61: {  	_ =	shalt  }
0x62: {  	_ =	shalt  }
0x63: {  	_ =	shalt  }
0x64: {  	_ =	shalt  }
0x65: {  	_ =	shalt  }
0x66: {  	_ =	shalt  }
0x67: {  	_ =	shalt  }
0x68: {  	_ =	shalt  }
0x69: {  	_ =	shalt  }
0x6a: {  	_ =	shalt  }
0x6b: {  	_ =	shalt  }
0x6c: {  	_ =	shalt  }
0x6d: {  	_ =	shalt  }
0x6e: {  	_ =	shalt  }
0x6f: {  	_ =	shalt  }
0x70: {  	_ =	shalt  }
0x71: {  	_ =	shalt  }
0x72: {  	_ =	shalt  }
0x73: {  	_ =	shalt  }
0x74: {  	_ =	shalt  }
0x75: {  	_ =	shalt  }
0x76: {  	_ =	shalt  }
0x77: {  	_ =	shalt  }
0x78: {  	_ =	shalt  }
0x79: {  	_ =	shalt  }
0x7a: {  	_ =	shalt  }
0x7b: {  	_ =	shalt  }
0x7c: {  	_ =	shalt  }
0x7d: {  	_ =	shalt  }
0x7e: {  	_ =	shalt  }
0x7f: {  	_ =	shalt  }
0x80: {  	_ =	shalt  }
0x81: {  	_ =	shalt  }
0x82: {  	_ =	shalt  }
0x83: {  	_ =	shalt  }
0x84: {  	_ =	shalt  }
0x85: {  	_ =	shalt  }
0x86: {  	_ =	shalt  }
0x87: {  	_ =	shalt  }
.Lfunc_end0:
.L_simem_size_0:
called_computation_lowered:
.L_overlay_start_0:
0x88: {  	s2 =	sld [smem:$0x3FD9]  }
0x89: {  	s3 =	sld [smem:$0x3FFE];
	_ =	sdelay $0x1  }
0x8a: {  	s1 =	srdreg.scid  }
0x8b: {  	s0 =	sand.u32 $0x1, s1  }
0x8c: {  	s16 =	sshll.u32 s0, $0xA;
	s2 =	sadd.s32 s3, s2  }
0x8d: {  	s2 =	sadd.s32 s2, s16  }
0x8e: {  	[smem:$0x3FC3] =	sst s2  }
0x8f: {  	_ = 	snop  }
0x90: {  	(tm) =	ssettm $0x1  }
0x91: {  	s17 =	sld [smem:$0x3FFB];
	_ =	sdelay $0x3  }
0x92: {  	_ =	strace s17  }
0x93: {  	s2 =	sld [smem:$0x3FFC];
	_ =	sdelay $0x3  }
0x94: {  	_ =	strace s2  }
0x95: {  	s2 =	sld [smem:$0x3FFD];
	_ =	sdelay $0x3  }
0x96: {  	_ =	strace s2  }
0x97: {  	_ =	strace $0x8FFFFFFF  }
0x98: {  	s18 =	sld [smem:$0x3FDB];
	_ =	sdelay $0x1  }
0x99: {  	s19 =	simm.s32 $_scs_section_size  }
0x9a: {  	s4 =	simm.s32 $_size__tile_overlayer_lowered;
	s5 =	simm.s32 $_tile_overlayer_lowered  }
0x9b: {  	s22 =	simm.s32 $0x1BFF;
	s21 =	sshll.u32 s5, $0x1;
	s2 =	sadd.s32 s19, s18  }
0x9c: {  	s6 =	simm.s32 $0x0;
	s20 =	sshll.u32 s4, $0x1;
	s4 =	sadd.s32 s21, s2  }
0x9d: {  	[timem:s6], [sflag:s22] =	dma.local [hbm:s4], s20  }
0x9e: {  	_ =	swait.ge [sflag:s22], s20  }
0x9f: {  	s3 =	ssub.s32 $0x0, s20;
	[sflag:s22] =	ssyncset.done $0x0  }
0xa0: {  	[sflag:s22] =	ssyncadd.s32 s3;
	_ =	sdelay $0x1  }
0xa1: {  	s23 =	simm.s32 $0x1B8B  }
0xa2: {  	_ =	swait.ge [sflag:s23], $0x1  }
0xa3: {  	[sflag:s23] =	ssyncset.done $0x0  }
0xa4: {  	s25 =	simm.s32 $0x1B8E;
	s24 =	sld [smem:$0x3FFE];
	[sflag:s23] =	ssyncadd.s32 $0xFFFFFFFF  }
0xa5: {  	s26 =	simm.s32 $execute0_lowered;
	[smem:$0x3FD2] =	sst s25  }
0xa6: {  	s4 =	sshll.u32 s26, $0x1;
	_ =	strace $0x80000046;
	[dreg:$0x1] =	wrdreg $0xFFFFFFFF  }
0xa7: {  	s28 =	simm.s32 $_size_execute0_lowered;
	s2 =	sadd.s32 s2, s4;
	[dreg:$0x0] =	wrdreg $0x0  }
0xa8: {  	s4 =	sshll.u32 s28, $0x1;
	[dreg:$0x2] =	wrdreg s2  }
0xa9: {  	[dreg:$0x3] =	wrdreg s4  }
0xaa: {  	[dreg:$0x4] =	wrdreg $0xC0  }
0xab: {  	_ =	task [dreg:s6], $0x5FFFF  }
0xac: {  	[dreg:$0x1] =	wrdreg $0xFFFFFFFF  }
0xad: {  	[dreg:$0x0] =	wrdreg $0x60  }
0xae: {  	[dreg:$0x2] =	wrdreg s24  }
0xaf: {  	[dreg:$0x3] =	wrdreg $0x9  }
0xb0: {  	_ =	task.clear_ibuf [dreg:s6], $0x4FFFF;
	_ =	strace $0x90000046  }
0xb1: {  	s29 =	simm.s32 $0x9;
	_ =	strace $0x80000048  }
0xb2: {  	_ =	swait.ge [sflag:s29], $0x1  }
0xb3: {  	[sflag:s29] =	ssyncadd.s32 $0xFFFFFFFF  }
0xb4: {  	_ =	strace $0x90000048  }
0xb5: {  	_ =	sfence  }
0xb6: {  	s30 =	sld [smem:$0x0];
	_ =	sdelay $0x2  }
0xb7: {  	s31 =	sshll.u32 s1, $0xD;
	s1 =	sshrl.u32 s1, $0x2  }
0xb8: {  	s3 =	sand.u32 $0x4000, s31;
	s1 =	sadd.s32 s1, s30  }
0xb9: {  	s0 =	sor.u32 s3, s0;
	s1 =	sshll.u32 s1, $0x11  }
0xba: {  	s0 =	sor.u32 s1, s0  }
0xbb: {  	s0 =	sadd.s32 $0x8F2B, s0  }
0xbc: {  	[sflag:s0] =	ssyncadd.remote.s32 $0x1  }
0xbd: {  	_ =	sfence.sel $0xFFFF  }
0xbe: {  	[dreg:$0x0] =	wrdreg $0xFFFFFFFF;
	(pc) =	sbr.abs _section_cstart, $3  }
0xbf: {  	[dreg:$0x1] =	wrdreg $0xFFFFFFFF  }
0xc0: {  	_ =	task.clear_ibuf [dreg:s6], $0x2FFFF;
	_ =	strace $0x9FFFFFFF  }
0xc1: {  	(tm) =	ssettm $0x7FFFFFFF  }
tec
execute0_lowered:
.L_overlay_start_1:
0x0: {  	(tag) =	ssettag $0x1  }
0x1: {  	s1 =	srdreg.scid  }
0x2: {  	s0 =	stileid.u32;
	s4 =	rddreg [dreg:$0x0]  }
0x3: {  	s2 =	simm.s32 $0x0;
	s15 =	simm.s32 $0x1900;
	s16 =	simm.s32 $0x9900  }
0x4: {  	s17 =	simm.s32 $0x200;
	s18 =	simm.s32 $0x11900;
	s19 =	simm.s32 $0x1  }
0x5: {  	s20 =	simm.s32 $0x4;
	s21 =	simm.s32 $0x2;
	s11 =	smul.u32 $0x190000, s0  }
0x6: {  	s22 =	simm.s32 $0x5;
	s10 =	sand.u32 $0x1, s1;
	s14 =	smul.u32 $0x32000, s0  }
0x7: {  	s23 =	simm.s32 $0x3;
	s3 =	sshll.u32 s0, $0x1;
	s13 =	smul.u32 $0xC8000, s10  }
0x8: {  	s5 =	sor.u32 s10, s3;
	s7 =	ssub.s32 $0x2, s10;
	s10 =	smul.u32 $0x19000, s10  }
0x9: {  	[smem:$0x7FF] =	sst s2;
	s12 =	sadd.s32 $0x3E7200, s4;
	s6 =	smul.u32 $0x1900, s5  }
0xa: {  	_ =	strace $0x80000047;
	s3 =	sadd.s32 $0x7200, s4;
	s9 =	smul.u32 $0xC8000, s5  }
0xb: {  	s8 =	sshrl.u32 s7, $0x1;
	s24 =	smul.u32 $0x19000, s5;
	s28 =	sadd.s32 s14, s12  }
0xc: {  	s14 =	simm.s32 $0x100;
	s7 =	ssub.s32 s7, s8;
	s11 =	sadd.s32 s13, s11  }
0xd: {  	s10 =	sadd.s32 s10, s28;
	s13 =	simm.s32 $0x7;
	s6 =	sshrl.u32 s6, $0x3  }
0xe: {  	s5 =	smax.u32 s7, $0x1;
	s25 =	sadd.s32 s12, s24;
	s26 =	sshrl.u32 s9, $0x3  }
0xf: {  	s29 =	sadd.s32 $0x10000, s11;
	s11 =	sadd.s32 $0x8000, s11;
	s24 =	simm.s32 $0x6  }
0x10: {  	s6 =	sadd.s32 s6, s4;
	s9 =	sadd.s32 s12, s26;
	s7 =	sadd.s32 $0x15000, s25  }
0x11: {  	s30 =	sshrl.u32 s29, $0x3;
	s31 =	sshrl.u32 s11, $0x3;
	s4 =	sadd.s32 $0xE00, s6  }
0x12: {  	s6 =	sadd.s32 $0x18000, s25;
	s8 =	sadd.s32 $0x16000, s9;
	s9 =	sadd.s32 $0x17000, s9  }
0x13: {  	s11 =	sadd.s32 s30, s12;
	s12 =	sadd.s32 s31, s12;
	s25 =	simm.s32 $0x0  }
.LBB2_1:
0x14: {  	[tilespmem:s2], [sflag:$0x7] =	stream.linear.gather [hbm4b:s4+s2], $0x1900, $0x38;
	[tilespmem:$0x19900] =	vst v63  }
0x15: {  	_ =	swait.ge [sflag:s13], $0x1900  }
0x16: {  	[sflag:s13] =	ssyncset.done $0x0  }
0x17: {  	[sflag:s13] =	ssyncadd.s32 $0xFFFFE700  }
0x18: {  	[tilespmem:s15], [sflag:$0x1] =	stream.indirect.gather [hbm4b:s3+s14], $0x80, s2, s14, $0xb8;
	[tilespmem:$0x19900] =	vst v63  }
0x19: {  	_ = 	snop  }
0x1a: {  	[tilespmem:s16], [sflag:$0x2] =	stream.indirect.gather [hbm4b:s3+s14], $0x80, s14, s14, $0xb8;
	[tilespmem:$0x19900] =	vst v63  }
0x1b: {  	_ = 	snop  }
0x1c: {  	[tilespmem:s18], [sflag:$0x3] =	stream.indirect.gather [hbm4b:s3+s14], $0x80, s17, s14, $0xb8;
	[tilespmem:$0x19900] =	vst v63  }
0x1d: {  	_ =	swait.ge [sflag:s19], $0x8000  }
0x1e: {  	[sflag:s19] =	ssyncset.done $0x0  }
0x1f: {  	[sflag:s19] =	ssyncadd.s32 $0xFFFF8000  }
0x20: {  	[hbm4b:s10+s2] =	stream.linear.scatter [tilespmem:s15], [sflag:$0x4], $0x8000, $0x38;
	[tilespmem:$0x19900] =	vst v63  }
0x21: {  	_ =	swait.ge [sflag:s20], $0x8000  }
0x22: {  	[sflag:s20] =	ssyncset.done $0x0  }
0x23: {  	s26 =	simm.s32 $0x300;
	[sflag:s20] =	ssyncadd.s32 $0xFFFF8000  }
0x24: {  	[tilespmem:s15], [sflag:$0x1] =	stream.indirect.gather [hbm4b:s3+s14], $0x80, s26, s14, $0xb8;
	[tilespmem:$0x19900] =	vst v63  }
0x25: {  	_ =	swait.ge [sflag:s21], $0x8000  }
0x26: {  	[sflag:s21] =	ssyncset.done $0x0  }
0x27: {  	[sflag:s21] =	ssyncadd.s32 $0xFFFF8000  }
0x28: {  	[hbm4b:s12+s2] =	stream.linear.scatter [tilespmem:s16], [sflag:$0x5], $0x8000, $0x38;
	[tilespmem:$0x19900] =	vst v63  }
0x29: {  	_ =	swait.ge [sflag:s22], $0x8000  }
0x2a: {  	[sflag:s22] =	ssyncset.done $0x0  }
0x2b: {  	s1 =	simm.s32 $0x400;
	[sflag:s22] =	ssyncadd.s32 $0xFFFF8000  }
0x2c: {  	[tilespmem:s16], [sflag:$0x2] =	stream.indirect.gather [hbm4b:s3+s14], $0x80, s1, s14, $0xb8;
	[tilespmem:$0x19900] =	vst v63  }
0x2d: {  	_ =	swait.ge [sflag:s23], $0x8000  }
0x2e: {  	[sflag:s23] =	ssyncset.done $0x0  }
0x2f: {  	[sflag:s23] =	ssyncadd.s32 $0xFFFF8000  }
0x30: {  	[hbm4b:s11+s2] =	stream.linear.scatter [tilespmem:s18], [sflag:$0x6], $0x8000, $0x38;
	[tilespmem:$0x19900] =	vst v63  }
0x31: {  	s28 =	sadd.s32 $0x3000, s11;
	_ =	swait.ge [sflag:s24], $0x8000  }
0x32: {  	s29 =	sadd.s32 $0x3000, s12;
	s31 =	simm.s32 $0x500;
	[sflag:s24] =	ssyncset.done $0x0  }
0x33: {  	s30 =	sadd.s32 $0x3000, s10;
	s26 =	simm.s32 $0xC00;
	[sflag:s24] =	ssyncadd.s32 $0xFFFF8000  }
.LBB2_2:
0x34: {  	[tilespmem:s18], [sflag:$0x3] =	stream.indirect.gather [hbm4b:s3+s14], $0x80, s31, s14, $0xb8;
	[tilespmem:$0x19900] =	vst v63  }
0x35: {  	s31 =	smov.u32 s26;
	s26 =	sadd.s32 $0xC00, s26;
	_ =	swait.ge [sflag:s19], $0x8000  }
0x36: {  	p0 =	sne.s32 s26, $0x5400;
	[sflag:s19] =	ssyncset.done $0x0  }
0x37: {  	[sflag:s19] =	ssyncadd.s32 $0xFFFF8000  }
0x38: {  	[hbm4b:s30+s2] =	stream.linear.scatter [tilespmem:s15], [sflag:$0x4], $0x8000, $0x38;
	[tilespmem:$0x19900] =	vst v63  }
0x39: {  	_ =	swait.ge [sflag:s20], $0x8000  }
0x3a: {  	s31 =	sshra.s32 s31, $0x2;
	[sflag:s20] =	ssyncset.done $0x0  }
0x3b: {  	s1 =	sadd.s32 $0x300, s31;
	[sflag:s20] =	ssyncadd.s32 $0xFFFF8000  }
0x3c: {  	[tilespmem:s15], [sflag:$0x1] =	stream.indirect.gather [hbm4b:s3+s14], $0x80, s1, s14, $0xb8;
	[tilespmem:$0x19900] =	vst v63  }
0x3d: {  	_ =	swait.ge [sflag:s21], $0x8000  }
0x3e: {  	[sflag:s21] =	ssyncset.done $0x0  }
0x3f: {  	[sflag:s21] =	ssyncadd.s32 $0xFFFF8000  }
0x40: {  	[hbm4b:s29+s2] =	stream.linear.scatter [tilespmem:s16], [sflag:$0x5], $0x8000, $0x38;
	[tilespmem:$0x19900] =	vst v63  }
0x41: {  	_ =	swait.ge [sflag:s22], $0x8000  }
0x42: {  	[sflag:s22] =	ssyncset.done $0x0  }
0x43: {  	s1 =	sadd.s32 $0x400, s31;
	[sflag:s22] =	ssyncadd.s32 $0xFFFF8000  }
0x44: {  	[tilespmem:s16], [sflag:$0x2] =	stream.indirect.gather [hbm4b:s3+s14], $0x80, s1, s14, $0xb8;
	[tilespmem:$0x19900] =	vst v63  }
0x45: {  	_ =	swait.ge [sflag:s23], $0x8000  }
0x46: {  	[sflag:s23] =	ssyncset.done $0x0  }
.Ltmp0:
0x47: {  	[sflag:s23] =	ssyncadd.s32 $0xFFFF8000;
	(pc) =	sbr.rel @p0 .LBB2_2-.Ltmp0, $4  }
0x48: {  	[hbm4b:s28+s2] =	stream.linear.scatter [tilespmem:s18], [sflag:$0x6], $0x8000, $0x38;
	[tilespmem:$0x19900] =	vst v63  }
0x49: {  	_ =	swait.ge [sflag:s24], $0x8000  }
0x4a: {  	s29 =	sadd.s32 $0x3000, s29;
	s28 =	sadd.s32 $0x3000, s28;
	[sflag:s24] =	ssyncset.done $0x0  }
0x4b: {  	s30 =	sadd.s32 $0x3000, s30;
	s31 =	sadd.s32 $0x500, s31;
	[sflag:s24] =	ssyncadd.s32 $0xFFFF8000  }
0x4c: {  	[tilespmem:s18], [sflag:$0x3] =	stream.indirect.gather [hbm4b:s3+s14], $0x80, s31, s14, $0xb8;
	[tilespmem:$0x19900] =	vst v63  }
0x4d: {  	_ =	swait.ge [sflag:s19], $0x8000  }
0x4e: {  	[sflag:s19] =	ssyncset.done $0x0  }
0x4f: {  	[sflag:s19] =	ssyncadd.s32 $0xFFFF8000  }
0x50: {  	[hbm4b:s7+s2] =	stream.linear.scatter [tilespmem:s15], [sflag:$0x4], $0x8000, $0x38;
	[tilespmem:$0x19900] =	vst v63  }
0x51: {  	_ =	swait.ge [sflag:s20], $0x8000  }
0x52: {  	s1 =	sshra.s32 s26, $0x2;
	[sflag:s20] =	ssyncset.done $0x0  }
0x53: {  	s1 =	sadd.s32 $0x300, s1;
	[sflag:s20] =	ssyncadd.s32 $0xFFFF8000  }
0x54: {  	[tilespmem:s15], [sflag:$0x1] =	stream.indirect.gather [hbm4b:s3+s14], $0x80, s1, s14, $0xb8;
	[tilespmem:$0x19900] =	vst v63  }
0x55: {  	_ =	swait.ge [sflag:s21], $0x8000  }
0x56: {  	[sflag:s21] =	ssyncset.done $0x0  }
0x57: {  	[sflag:s21] =	ssyncadd.s32 $0xFFFF8000  }
0x58: {  	[hbm4b:s8+s2] =	stream.linear.scatter [tilespmem:s16], [sflag:$0x5], $0x8000, $0x38;
	[tilespmem:$0x19900] =	vst v63  }
0x59: {  	_ =	swait.ge [sflag:s23], $0x8000  }
0x5a: {  	[sflag:s23] =	ssyncset.done $0x0  }
0x5b: {  	[sflag:s23] =	ssyncadd.s32 $0xFFFF8000  }
0x5c: {  	[hbm4b:s9+s2] =	stream.linear.scatter [tilespmem:s18], [sflag:$0x6], $0x8000, $0x38;
	[tilespmem:$0x19900] =	vst v63  }
0x5d: {  	_ =	swait.ge [sflag:s19], $0x8000  }
0x5e: {  	[sflag:s19] =	ssyncset.done $0x0  }
0x5f: {  	[sflag:s19] =	ssyncadd.s32 $0xFFFF8000  }
0x60: {  	[hbm4b:s6+s2] =	stream.linear.scatter [tilespmem:s15], [sflag:$0x4], $0x8000, $0x38;
	[tilespmem:$0x19900] =	vst v63  }
0x61: {  	_ =	swait.ge [sflag:s20], $0x8000  }
0x62: {  	[sflag:s20] =	ssyncset.done $0x0  }
0x63: {  	s25 =	sadd.s32 $0x1, s25;
	[sflag:s20] =	ssyncadd.s32 $0xFFFF8000  }
0x64: {  	p0 =	sne.s32 s25, s5;
	_ =	swait.ge [sflag:s22], $0x8000  }
.Ltmp1:
0x65: {  	[sflag:s22] =	ssyncset.done $0x0;
	(pc) =	sbr.rel @p0 .LBB2_1-.Ltmp1, $4  }
0x66: {  	[sflag:s22] =	ssyncadd.s32 $0xFFFF8000  }
0x67: {  	_ =	swait.ge [sflag:s24], $0x8000  }
0x68: {  	[sflag:s24] =	ssyncset.done $0x0  }
0x69: {  	[sflag:s24] =	ssyncadd.s32 $0xFFFF8000  }
0x6a: {  	_ =	sfence.sel $0x180000  }
0x6b: {  	[bflag:$0x0] =	sbarrier.arrive $0xFFFF  }
0x6c: {  	_ =	strace $0x90000047  }
0x6d: {  	[bflag:$0x2] =	sbarrier.arrive $0xFFFF  }
0x6e: {  	p0 =	sne.s32 s0, $0x0;
	s0 =	rddreg [dreg:$0x1]  }
0x6f: {  	s0 =	sadd.s32 @!p0 $0x100000, s0  }
0x70: {  	[sflag:s0] =	ssyncadd.tile.s32 @!p0 $0x1;
	_ =	shalt  }
.Lfunc_end2:
_tile_overlayer_lowered:
.L_overlay_start_2:
0x71: {  	(tag) =	ssettag $0x2  }
0x72: {  	s0 =	rddreg [dreg:$0x0];
	s2 =	stileid.u32  }
0x73: {  	s1 =	rddreg [dreg:$0x1];
	p0 =	sne.s32 s2, $0x0  }
0x74: {  	s3 =	rddreg [dreg:$0x2];
	[bflag:$0x3] =	sbarrier.arrive $0xFFFF;
	s2 =	simm.s32 @!p0 $0x1C07  }
0x75: {  	[timem:s3], [sflag:s2] =	dma.local @!p0 [hbm:s0], s1  }
0x76: {  	s0 =	simm.s32 @!p0 $0x7  }
0x77: {  	_ =	swait.ge @!p0 [sflag:s0], s1  }
0x78: {  	s1 =	ssub.s32 @!p0 $0x0, s1;
	[sflag:s0] =	ssyncset.done @!p0 $0x0  }
0x79: {  	[sflag:s0] =	ssyncadd.s32 @!p0 s1  }
0x7a: {  	[bflag:$0x3] =	sbarrier.arrive $0xFFFF  }
0x7b: {  	_ =	shalt  }

</sc_bundles>
